<compile_context>
chip_gen: v7x
topology: tpu7x:2x2x1
jax: 0.10.2.dev20260603
libtpu: 0.0.44.dev20260713+nightly
codegen_flags: <defaults>
</compile_context>

<pallas_src>
import functools

import jax
import jax.numpy as jnp
from jax import lax
from jax.experimental import pallas as pl
from jax.experimental.pallas import tpu as pltpu
from jax.experimental.pallas import tpu_sc as plsc

N = 10000
NP = 10240
K = 20
D = 128
AD = 16
T = 256
GRID = (NP + T - 1) // T
EP = K * NP
TW = 256
E_REAL = N * K
WIN = 4096


def _knn_tables_body(win_ref, geomT_ref, g_ref, aux_ref, brow_ref, bcol_ref,
                     W1_ref, b1_ref, Wa1_ref, ba1_ref,
                     nbr_ref, tq_ref, tg_ref, a2_ref, a1_ref):
    pid = pl.program_id(0)
    g = g_ref[...]
    sq_row = jnp.sum(g * g, axis=1, keepdims=True)
    rowg = pid * T + lax.broadcasted_iota(jnp.int32, (T, 1), 0)
    brow = brow_ref[...]
    lane = lax.broadcasted_iota(jnp.int32, (1, 32), 1)
    BIG = jnp.int32(2 ** 30)

    def topk(d, colids):
        def body(k, carry):
            dk, acc = carry
            mn = jnp.min(dk, axis=1, keepdims=True)
            cand = jnp.where(dk == mn, colids, BIG)
            idx = jnp.min(cand, axis=1, keepdims=True)
            acc = jnp.where(lane == k, idx, acc)
            dk = jnp.where(colids == idx, jnp.inf, dk)
            return dk, acc
        _, acc = lax.fori_loop(0, K, body, (d, jnp.zeros((T, 32), jnp.int32)))
        return acc

    ws = pl.multiple_of(win_ref[pid, 0], 512)
    sel_full = win_ref[pid, 1] == 1

    @pl.when(sel_full)
    def _():
        geomT = geomT_ref[...]
        sq_col = jnp.sum(geomT * geomT, axis=0, keepdims=True)
        d = sq_row + sq_col - 2.0 * jnp.dot(g, geomT, preferred_element_type=jnp.float32)
        col = lax.broadcasted_iota(jnp.int32, (1, NP), 1)
        bad = (brow != bcol_ref[...]) | (col == rowg)
        nbr_ref[...] = topk(jnp.where(bad, jnp.inf, d), col)

    @pl.when(jnp.logical_not(sel_full))
    def _():
        gw = geomT_ref[:, pl.ds(ws, WIN)]
        sq_col = jnp.sum(gw * gw, axis=0, keepdims=True)
        d = sq_row + sq_col - 2.0 * jnp.dot(g, gw, preferred_element_type=jnp.float32)
        col = ws + lax.broadcasted_iota(jnp.int32, (1, WIN), 1)
        bcw = bcol_ref[:, pl.ds(ws, WIN)]
        bad = (brow != bcw) | (col == rowg)
        nbr_ref[...] = topk(jnp.where(bad, jnp.inf, d), col)

    W1 = W1_ref[...]
    P = jnp.dot(g, W1[:D], preferred_element_type=jnp.float32)
    Q = jnp.dot(g, W1[D:], preferred_element_type=jnp.float32)
    tq_ref[...] = Q
    tg_ref[...] = P - Q + b1_ref[...]
    aux = aux_ref[...]
    Wa1 = Wa1_ref[...]
    a2_ref[...] = jnp.dot(aux, Wa1[AD:], preferred_element_type=jnp.float32)
    a1_ref[...] = jnp.dot(aux, Wa1[:AD], preferred_element_type=jnp.float32) + ba1_ref[...]


def _knn_tables(win, geomT, geom, aux, brow, bcol, W1, b1r, Wa1, ba1r,
                interpret=False):
    full = lambda shape: pl.BlockSpec(shape, lambda i: (0, 0))
    return pl.pallas_call(
        _knn_tables_body,
        grid=(GRID,),
        in_specs=[
            pl.BlockSpec(memory_space=pltpu.SMEM),
            full((D, NP)),
            pl.BlockSpec((T, D), lambda i: (i, 0)),
            pl.BlockSpec((T, AD), lambda i: (i, 0)),
            pl.BlockSpec((T, 1), lambda i: (i, 0)),
            full((1, NP)),
            full((2 * D, D)),
            full((1, D)),
            full((2 * AD, 64)),
            full((1, 64)),
        ],
        out_specs=[
            pl.BlockSpec((T, 32), lambda i: (i, 0)),
            pl.BlockSpec((T, D), lambda i: (i, 0)),
            pl.BlockSpec((T, D), lambda i: (i, 0)),
            pl.BlockSpec((T, 64), lambda i: (i, 0)),
            pl.BlockSpec((T, 64), lambda i: (i, 0)),
        ],
        out_shape=[
            jax.ShapeDtypeStruct((N, 32), jnp.int32),
            jax.ShapeDtypeStruct((N, D), jnp.float32),
            jax.ShapeDtypeStruct((N, D), jnp.float32),
            jax.ShapeDtypeStruct((N, 64), jnp.float32),
            jax.ShapeDtypeStruct((N, 64), jnp.float32),
        ],
        interpret=interpret,
        compiler_params=pltpu.CompilerParams(dimension_semantics=("parallel",)),
    )(win, geomT, geom, aux, brow, bcol, W1, b1r, Wa1, ba1r)



_CHUNK = 320


def _sc_gather(table, idx_all):
    info = plsc.get_sparse_core_info()
    NC, NS = info.num_cores, info.num_subcores
    NW = NC * NS
    per_w = EP // NW
    n_chunks = per_w // _CHUNK
    mesh = plsc.VectorSubcoreMesh(core_axis_name="c", subcore_axis_name="s")

    @functools.partial(
        pl.kernel, mesh=mesh,
        out_type=jax.ShapeDtypeStruct((EP, TW), jnp.float32),
        scratch_types=[
            pltpu.VMEM((_CHUNK,), jnp.int32),
            pltpu.VMEM((_CHUNK, TW), jnp.float32),
            pltpu.SemaphoreType.DMA,
        ],
    )
    def k(table_hbm, idx_hbm, outs_hbm, idx_v, rows_v, sem):
        wid = lax.axis_index("s") * NC + lax.axis_index("c")
        base0 = wid * per_w

        @pl.loop(0, n_chunks)
        def _(c):
            b = base0 + c * _CHUNK
            pltpu.sync_copy(idx_hbm.at[pl.ds(b, _CHUNK)], idx_v)
            pltpu.async_copy(table_hbm.at[idx_v], rows_v, sem).wait()
            pltpu.sync_copy(rows_v, outs_hbm.at[pl.ds(b, _CHUNK)])

    return k(table, idx_all)




def _stats1_body(gs_ref, gt_ref, s_ref, q_ref):
    pid = pl.program_id(0)
    h = gs_ref[...] + gt_ref[...][None, :, :]
    nid = pid * T + lax.broadcasted_iota(jnp.int32, (1, T, 1), 1)
    h = jnp.where(nid < N, h, 0.0)
    s_ref[...] = jnp.sum(h, axis=(0, 1))[None, None, :]
    q_ref[...] = jnp.sum(h * h, axis=(0, 1))[None, None, :]


def _stats1(Gs3, Gt3, interpret=False):
    return pl.pallas_call(
        _stats1_body,
        grid=(GRID,),
        in_specs=[
            pl.BlockSpec((K, T, D), lambda i: (0, i, 0)),
            pl.BlockSpec((T, D), lambda i: (i, 0)),
        ],
        out_specs=[
            pl.BlockSpec((1, 1, D), lambda i: (i, 0, 0)),
            pl.BlockSpec((1, 1, D), lambda i: (i, 0, 0)),
        ],
        out_shape=[
            jax.ShapeDtypeStruct((GRID, 1, D), jnp.float32),
            jax.ShapeDtypeStruct((GRID, 1, D), jnp.float32),
        ],
        interpret=interpret,
        compiler_params=pltpu.CompilerParams(dimension_semantics=("parallel",)),
    )(Gs3, Gt3)


def _stats2_body(gs_ref, gt_ref, sc1_ref, sh1_ref, W2_ref, b2_ref, s_ref, q_ref):
    pid = pl.program_id(0)
    gs = gs_ref[...]
    gt = gt_ref[...]
    h1 = (gs[:, :, :D] + gt[None, :, :D]).reshape(K * T, D)
    e1 = jnp.maximum(h1 * sc1_ref[...] + sh1_ref[...], 0.0)
    h2 = jnp.dot(e1, W2_ref[...], preferred_element_type=jnp.float32) + b2_ref[...]
    nloc = lax.broadcasted_iota(jnp.int32, (K * T, 1), 0) % T
    h2 = jnp.where(pid * T + nloc < N, h2, 0.0)
    s_ref[...] = jnp.sum(h2, axis=0)[None, None, :]
    q_ref[...] = jnp.sum(h2 * h2, axis=0)[None, None, :]


def _stats2(Gs3, Gt3, sc1, sh1, W2, b2r, interpret=False):
    full2 = lambda shape: pl.BlockSpec(shape, lambda i: (0, 0))
    return pl.pallas_call(
        _stats2_body,
        grid=(GRID,),
        in_specs=[
            pl.BlockSpec((K, T, TW), lambda i: (0, i, 0)),
            pl.BlockSpec((T, TW), lambda i: (i, 0)),
            full2((1, D)), full2((1, D)), full2((D, D)), full2((1, D)),
        ],
        out_specs=[
            pl.BlockSpec((1, 1, D), lambda i: (i, 0, 0)),
            pl.BlockSpec((1, 1, D), lambda i: (i, 0, 0)),
        ],
        out_shape=[
            jax.ShapeDtypeStruct((GRID, 1, D), jnp.float32),
            jax.ShapeDtypeStruct((GRID, 1, D), jnp.float32),
        ],
        interpret=interpret,
        compiler_params=pltpu.CompilerParams(dimension_semantics=("parallel",)),
    )(Gs3, Gt3, sc1, sh1, W2, b2r)


def _final_body(gs_ref, gt_ref, sc1_ref, sh1_ref, sc2_ref, sh2_ref,
                W2_ref, b2_ref, Wa2_ref, ba2_ref, lng_ref, lnb_ref, out_ref):
    gs = gs_ref[...]
    gt = gt_ref[...]
    h1 = (gs[:, :, :D] + gt[None, :, :D]).reshape(K * T, D)
    e1 = jnp.maximum(h1 * sc1_ref[...] + sh1_ref[...], 0.0)
    h2 = jnp.dot(e1, W2_ref[...], preferred_element_type=jnp.float32) + b2_ref[...]
    ef = jnp.maximum(h2 * sc2_ref[...] + sh2_ref[...], 0.0)
    a = jnp.maximum((gs[:, :, D:D + 64] + gt[None, :, D:D + 64]).reshape(K * T, 64), 0.0)
    gb = jnp.dot(a, Wa2_ref[...], preferred_element_type=jnp.float32) + ba2_ref[...]
    gamma = jax.nn.sigmoid(gb[:, :D] + 1.0)
    beta = gb[:, D:]
    mod = gamma * ef + beta
    mx = jnp.max(mod.reshape(K, T, D), axis=0)
    mu = jnp.mean(mx, axis=1, keepdims=True)
    xc = mx - mu
    var = jnp.mean(xc * xc, axis=1, keepdims=True)
    y = xc / jnp.sqrt(var + 1e-5) * lng_ref[...] + lnb_ref[...]
    out_ref[...] = jnp.maximum(y, 0.0)


def _final(Gs3, Gt3, sc1, sh1, sc2, sh2, W2, b2r, Wa2, ba2r, lngr, lnbr,
           interpret=False):
    full2 = lambda shape: pl.BlockSpec(shape, lambda i: (0, 0))
    return pl.pallas_call(
        _final_body,
        grid=(GRID,),
        in_specs=[
            pl.BlockSpec((K, T, TW), lambda i: (0, i, 0)),
            pl.BlockSpec((T, TW), lambda i: (i, 0)),
            full2((1, D)), full2((1, D)), full2((1, D)), full2((1, D)),
            full2((D, D)), full2((1, D)),
            full2((64, 2 * D)), full2((1, 2 * D)),
            full2((1, D)), full2((1, D)),
        ],
        out_specs=pl.BlockSpec((T, D), lambda i: (i, 0)),
        out_shape=jax.ShapeDtypeStruct((N, D), jnp.float32),
        interpret=interpret,
        compiler_params=pltpu.CompilerParams(dimension_semantics=("parallel",)),
    )(Gs3, Gt3, sc1, sh1, sc2, sh2, W2, b2r, Wa2, ba2r, lngr, lnbr)


def kernel(geom, aux, batch, W1, b1, bn1_g, bn1_b, W2, b2, bn2_g, bn2_b,
           Wa1, ba1, Wa2, ba2, ln_g, ln_b):
    f32 = jnp.float32
    batch_i = batch.astype(jnp.int32)
    rs = jnp.arange(GRID, dtype=jnp.int32) * T
    re = jnp.minimum(rs + T - 1, N - 1)
    bmin = batch_i[jnp.minimum(rs, N - 1)]
    bmax = batch_i[re]
    lo = jnp.searchsorted(batch_i, bmin, side='left').astype(jnp.int32)
    hi = jnp.searchsorted(batch_i, bmax, side='right').astype(jnp.int32)
    ws = jnp.clip((lo // 512) * 512, 0, NP - WIN)
    sel = ((hi - ws) > WIN).astype(jnp.int32)
    win = jnp.stack([ws, sel], axis=1)
    geomTp = jnp.pad(geom.T, ((0, 0), (0, NP - N)))
    bcolp = jnp.pad(batch_i.reshape(1, N), ((0, 0), (0, NP - N)),
                    constant_values=-1)
    nbr, TQ, TG, A2, A1 = _knn_tables(
        win, geomTp, geom, aux, batch_i.reshape(N, 1), bcolp,
        W1, b1.reshape(1, D), Wa1, ba1.reshape(1, 64))

    zpad = jnp.zeros((N, TW - D - 64), jnp.float32)
    tab = jnp.concatenate([TQ, A2, zpad], axis=1)
    ttab = jnp.pad(jnp.concatenate([TG, A1, zpad], axis=1),
                   ((0, NP - N), (0, 0)))

    nbr_p = jnp.pad(nbr[:, :K], ((0, NP - N), (0, 0)))
    src_idx = jnp.clip(nbr_p.T.reshape(-1), 0, N - 1).astype(jnp.int32)

    Gs = _sc_gather(tab, src_idx)
    Gs3 = Gs.reshape(K, NP, TW)
    Gt3 = ttab

    s1, q1 = _stats1(Gs3, Gt3)
    S1 = jnp.sum(s1, axis=0)[0]
    Q1 = jnp.sum(q1, axis=0)[0]
    mu1 = S1 / E_REAL
    var1 = Q1 / E_REAL - mu1 * mu1
    sc1 = bn1_g / jnp.sqrt(var1 + 1e-5)
    sh1 = bn1_b - mu1 * sc1

    s2, q2 = _stats2(Gs3, Gt3, sc1.reshape(1, D), sh1.reshape(1, D),
                     W2, b2.reshape(1, D))
    S2 = jnp.sum(s2, axis=0)[0]
    Q2 = jnp.sum(q2, axis=0)[0]
    mu2 = S2 / E_REAL
    var2 = Q2 / E_REAL - mu2 * mu2
    sc2 = bn2_g / jnp.sqrt(var2 + 1e-5)
    sh2 = bn2_b - mu2 * sc2

    return _final(Gs3, Gt3, sc1.reshape(1, D), sh1.reshape(1, D),
                  sc2.reshape(1, D), sh2.reshape(1, D), W2, b2.reshape(1, D),
                  Wa2, ba2.reshape(1, 2 * D), ln_g.reshape(1, D),
                  ln_b.reshape(1, D))

# --- scband reference (transcript-rebuilt; emitter-appended) ---
"""Pipeline reference for scband-edge-conv-aux-layer-25125558681936 (READ-ONLY COPY).

The authoritative reference and input builder live on the scoring server;
editing this copy changes nothing except your own understanding.
"""

import jax, jax.numpy as jnp
import numpy as np

N = 10000
GEOM_DIM = 128
AUX_DIM = 16
OUT_DIM = 128
K = 20
N_BATCH = 8


def knn_graph(geom, batch, k):
    n = geom.shape[0]
    sq = jnp.sum(geom * geom, axis=1)
    chunk = 2048
    nbr_list = []
    for s in range(0, n, chunk):
        e = min(s + chunk, n)
        g = geom[s:e]
        d = sq[s:e, None] + sq[None, :] - 2.0 * (g @ geom.T)
        mask = batch[s:e, None] != batch[None, :]
        d = jnp.where(mask, jnp.inf, d)
        d = d.at[jnp.arange(e - s), jnp.arange(s, e)].set(jnp.inf)
        _, nbr = jax.lax.top_k(-d, k)
        nbr_list.append(nbr)
    nbr = jnp.concatenate(nbr_list, axis=0)
    tgt = jnp.repeat(jnp.arange(n), k)
    src = nbr.reshape(-1)
    return jnp.stack([tgt, src], axis=0)


def batch_norm(x, g, b):
    m = jnp.mean(x, axis=0)
    v = jnp.var(x, axis=0)
    return (x - m) / jnp.sqrt(v + 1e-5) * g + b


def setup_inputs(seed: int = 0):
    key = jax.random.key(seed)
    ks = jax.random.split(key, 16)
    geom = jax.random.normal(ks[0], (N, GEOM_DIM), dtype=jnp.float32)
    aux = jax.random.normal(ks[1], (N, AUX_DIM), dtype=jnp.float32)
    batch = jnp.sort(jax.random.randint(ks[2], (N,), 0, N_BATCH))
    s1 = 1.0 / np.sqrt(2 * GEOM_DIM)
    s2 = 1.0 / np.sqrt(OUT_DIM)
    s3 = 1.0 / np.sqrt(2 * AUX_DIM)
    s4 = 1.0 / np.sqrt(64)
    return {
        'geom': geom, 'aux': aux, 'batch': batch,
        'W1': jax.random.normal(ks[3], (2 * GEOM_DIM, OUT_DIM), dtype=jnp.float32) * s1,
        'b1': jnp.zeros((OUT_DIM,), jnp.float32),
        'bn1_g': jnp.ones((OUT_DIM,), jnp.float32),
        'bn1_b': jnp.zeros((OUT_DIM,), jnp.float32),
        'W2': jax.random.normal(ks[4], (OUT_DIM, OUT_DIM), dtype=jnp.float32) * s2,
        'b2': jnp.zeros((OUT_DIM,), jnp.float32),
        'bn2_g': jnp.ones((OUT_DIM,), jnp.float32),
        'bn2_b': jnp.zeros((OUT_DIM,), jnp.float32),
        'Wa1': jax.random.normal(ks[5], (2 * AUX_DIM, 64), dtype=jnp.float32) * s3,
        'ba1': jnp.zeros((64,), jnp.float32),
        'Wa2': jax.random.normal(ks[6], (64, 2 * OUT_DIM), dtype=jnp.float32) * s4,
        'ba2': jnp.zeros((2 * OUT_DIM,), jnp.float32),
        'ln_g': jnp.ones((OUT_DIM,), jnp.float32),
        'ln_b': jnp.zeros((OUT_DIM,), jnp.float32),
    }


def reference(geom, aux, batch, W1, b1, bn1_g, bn1_b, W2, b2, bn2_g, bn2_b, Wa1, ba1, Wa2, ba2, ln_g, ln_b):
    edge_index = knn_graph(geom, batch, K)
    tgt = edge_index[0]
    src = edge_index[1]
    xi = geom[tgt]
    xj = geom[src]
    edge_geom = jnp.concatenate([xi, xj - xi], axis=1)
    h = edge_geom @ W1 + b1
    h = jax.nn.relu(batch_norm(h, bn1_g, bn1_b))
    h = h @ W2 + b2
    edge_feat = jax.nn.relu(batch_norm(h, bn2_g, bn2_b))
    edge_aux = jnp.concatenate([aux[tgt], aux[src]], axis=1)
    a = jax.nn.relu(edge_aux @ Wa1 + ba1)
    gb = a @ Wa2 + ba2
    gamma = jax.nn.sigmoid(gb[:, :OUT_DIM] + 1.0)
    beta = gb[:, OUT_DIM:]
    mod_edge = gamma * edge_feat + beta
    out = jax.ops.segment_max(mod_edge, tgt, num_segments=N)
    mu = jnp.mean(out, axis=-1, keepdims=True)
    var = jnp.var(out, axis=-1, keepdims=True)
    out = (out - mu) / jnp.sqrt(var + 1e-5) * ln_g + ln_b
    return jax.nn.relu(out)

if __name__ == "__main__":
    import jax
    _d = setup_inputs()
    print(jax.jit(kernel)(*tuple(_d.values())))

</pallas_src>

<mosaic_0001>
#map = affine_map<(d0, d1) -> (0, 0)>
#map1 = affine_map<(d0, d1) -> (0)>
module attributes {stable_mosaic.version = 14 : i64} {
  func.func @k(%arg0: i32, %arg1: i32, %arg2: memref<10000x256xf32, #tpu.memory_space<hbm>>, %arg3: memref<204800xi32, #tpu.memory_space<hbm>>, %arg4: memref<204800x256xf32, #tpu.memory_space<hbm>>, %arg5: memref<320xi32, #tpu.memory_space<vmem>>, %arg6: memref<320x256xf32, #tpu.memory_space<vmem>>, %arg7: memref<!tpu.dma_semaphore, #tpu.memory_space<semaphore_mem>>) attributes {dimension_semantics = [#tpu.dimension_semantics<core_parallel>, #tpu.dimension_semantics<subcore_parallel>], iteration_bounds = array<i64: 2, 16>, scalar_prefetch = 0 : i64, scratch_operands = 3 : i64, tpu.core_type = #tpu.core_type<sc_vector_subcore>, window_params = [{transform_indices = #map}, {transform_indices = #map1}, {transform_indices = #map}]} {
    %mul3A = arith.constant 2 : i32
    %mul3A_0 = arith.muli %arg1, %mul3A : i32
    %add3A = arith.addi %mul3A_0, %arg0 : i32
    %mul3A_1 = arith.constant 6400 : i32
    %mul3A_2 = arith.muli %add3A, %mul3A_1 : i32
    %scan3A = arith.constant 0 : i32
    %scan3A_3 = arith.constant 20 : i32
    %scan3A_4 = arith.addi %scan3A, %scan3A_3 : i32
    %scan3A_5 = arith.constant 1 : i32
    scf.for %scan3A_7 = %scan3A to %scan3A_4 step %scan3A_5  : i32 {
      %mul3A_8 = arith.constant 1 : i32
      %mul3A_9 = arith.muli %scan3A_7, %mul3A_8 : i32
      %add3A_10 = arith.constant 0 : i32
      %add3A_11 = arith.addi %add3A_10, %mul3A_9 : i32
      %mul3A_12 = arith.constant 320 : i32
      %mul3A_13 = arith.muli %add3A_11, %mul3A_12 : i32
      %add3A_14 = arith.addi %mul3A_2, %mul3A_13 : i32
      "tpu.region"() ({
        %run_scoped3A = tpu.sem_alloc : memref<!tpu.dma_semaphore, #tpu.memory_space<semaphore_mem>>
        %dma_start3A_19 = tpu.memref_slice %arg3[%add3A_14] : memref<204800xi32, #tpu.memory_space<hbm>> -> memref<320xi32, #tpu.memory_space<hbm>>
        %dma_start3A_20 = tpu.memref_slice %arg3[%add3A_14] : memref<204800xi32, #tpu.memory_space<hbm>> -> memref<320xi32, #tpu.memory_space<hbm>>
        tpu.enqueue_dma source(%dma_start3A_20 : memref<320xi32, #tpu.memory_space<hbm>>) target(%arg5 : memref<320xi32, #tpu.memory_space<vmem>>) target_semaphore(%run_scoped3A : memref<!tpu.dma_semaphore, #tpu.memory_space<semaphore_mem>>)
        %dma_wait3A_21 = tpu.memref_slice %arg3[%add3A_14] : memref<204800xi32, #tpu.memory_space<hbm>> -> memref<320xi32, #tpu.memory_space<hbm>>
        %dma_wait3A_22 = tpu.memref_slice %arg3[%add3A_14] : memref<204800xi32, #tpu.memory_space<hbm>> -> memref<320xi32, #tpu.memory_space<hbm>>
        tpu.wait_dma2 semaphore(%run_scoped3A : memref<!tpu.dma_semaphore, #tpu.memory_space<semaphore_mem>>) src(%dma_wait3A_22 : memref<320xi32, #tpu.memory_space<hbm>>) dst(%arg5 : memref<320xi32, #tpu.memory_space<vmem>>)
        tpu.yield
      }) : () -> ()
      %dma_start3A = arith.constant 0 : i32
      %dma_start3A_15 = arith.constant 0 : i32
      %dma_start3A_16 = tpu.memref_slice %arg2[%dma_start3A, %dma_start3A_15] : memref<10000x256xf32, #tpu.memory_space<hbm>> -> memref<10000x256xf32, #tpu.memory_space<hbm>>
      tpu.enqueue_indirect_dma source(%dma_start3A_16 : memref<10000x256xf32, #tpu.memory_space<hbm>>) target(%arg6 : memref<320x256xf32, #tpu.memory_space<vmem>>) offsets(%arg5 : memref<320xi32, #tpu.memory_space<vmem>>) semaphore(%arg7 : memref<!tpu.dma_semaphore, #tpu.memory_space<semaphore_mem>>)
      %dma_wait3A = arith.constant 0 : i32
      %dma_wait3A_17 = arith.constant 0 : i32
      %dma_wait3A_18 = tpu.memref_slice %arg2[%dma_wait3A, %dma_wait3A_17] : memref<10000x256xf32, #tpu.memory_space<hbm>> -> memref<10000x256xf32, #tpu.memory_space<hbm>>
      tpu.wait_indirect_dma semaphore(%arg7 : memref<!tpu.dma_semaphore, #tpu.memory_space<semaphore_mem>>) src(%dma_wait3A_18 : memref<10000x256xf32, #tpu.memory_space<hbm>>) dst(%arg6 : memref<320x256xf32, #tpu.memory_space<vmem>>)
      "tpu.region"() ({
        %run_scoped3A = tpu.sem_alloc : memref<!tpu.dma_semaphore, #tpu.memory_space<semaphore_mem>>
        %dma_start3A_19 = arith.constant 0 : i32
        %dma_start3A_20 = tpu.memref_slice %arg4[%add3A_14, %dma_start3A_19] : memref<204800x256xf32, #tpu.memory_space<hbm>> -> memref<320x256xf32, #tpu.memory_space<hbm>>
        %dma_start3A_21 = arith.constant 0 : i32
        %dma_start3A_22 = tpu.memref_slice %arg4[%add3A_14, %dma_start3A_21] : memref<204800x256xf32, #tpu.memory_space<hbm>> -> memref<320x256xf32, #tpu.memory_space<hbm>>
        tpu.enqueue_dma source(%arg6 : memref<320x256xf32, #tpu.memory_space<vmem>>) target(%dma_start3A_22 : memref<320x256xf32, #tpu.memory_space<hbm>>) target_semaphore(%run_scoped3A : memref<!tpu.dma_semaphore, #tpu.memory_space<semaphore_mem>>)
        %dma_wait3A_23 = arith.constant 0 : i32
        %dma_wait3A_24 = tpu.memref_slice %arg4[%add3A_14, %dma_wait3A_23] : memref<204800x256xf32, #tpu.memory_space<hbm>> -> memref<320x256xf32, #tpu.memory_space<hbm>>
        %dma_wait3A_25 = arith.constant 0 : i32
        %dma_wait3A_26 = tpu.memref_slice %arg4[%add3A_14, %dma_wait3A_25] : memref<204800x256xf32, #tpu.memory_space<hbm>> -> memref<320x256xf32, #tpu.memory_space<hbm>>
        tpu.wait_dma2 semaphore(%run_scoped3A : memref<!tpu.dma_semaphore, #tpu.memory_space<semaphore_mem>>) src(%arg6 : memref<320x256xf32, #tpu.memory_space<vmem>>) dst(%dma_wait3A_26 : memref<320x256xf32, #tpu.memory_space<hbm>>)
        tpu.yield
      }) : () -> ()
    }
    %scan3A_6 = arith.constant 20 : i32
    return
  }
}

module attributes {stable_mosaic.version = 14 : i64} {
  func.func @_knn_tables_body(%arg0: i32, %arg1: memref<40x2xi32, #tpu.memory_space<smem>>, %arg2: memref<128x10240xf32, #tpu.memory_space<vmem>>, %arg3: memref<256x128xf32, #tpu.memory_space<vmem>>, %arg4: memref<256x16xf32, #tpu.memory_space<vmem>>, %arg5: memref<256x1xi32, #tpu.memory_space<vmem>>, %arg6: memref<1x10240xi32, #tpu.memory_space<vmem>>, %arg7: memref<256x128xf32, #tpu.memory_space<vmem>>, %arg8: memref<1x128xf32, #tpu.memory_space<vmem>>, %arg9: memref<32x64xf32, #tpu.memory_space<vmem>>, %arg10: memref<1x64xf32, #tpu.memory_space<vmem>>, %arg11: memref<256x32xi32, #tpu.memory_space<vmem>>, %arg12: memref<256x128xf32, #tpu.memory_space<vmem>>, %arg13: memref<256x128xf32, #tpu.memory_space<vmem>>, %arg14: memref<256x64xf32, #tpu.memory_space<vmem>>, %arg15: memref<256x64xf32, #tpu.memory_space<vmem>>) attributes {dimension_semantics = [#tpu.dimension_semantics<parallel>], iteration_bounds = array<i64: 40>, scalar_prefetch = 0 : i64, scratch_operands = 0 : i64, tpu.core_type = #tpu.core_type<tc>, window_params = [{transform_indices = @transform_0, window_bounds = array<i64: 40, 2>}, {pipeline_mode = #tpu.pipeline_mode<synchronous>, transform_indices = @transform_1, window_bounds = array<i64: 128, 10240>}, {transform_indices = @transform_2, window_bounds = array<i64: 256, 128>}, {transform_indices = @transform_3, window_bounds = array<i64: 256, 16>}, {transform_indices = @transform_4, window_bounds = array<i64: 256, 1>}, {pipeline_mode = #tpu.pipeline_mode<synchronous>, transform_indices = @transform_5, window_bounds = array<i64: 1, 10240>}, {pipeline_mode = #tpu.pipeline_mode<synchronous>, transform_indices = @transform_6, window_bounds = array<i64: 256, 128>}, {pipeline_mode = #tpu.pipeline_mode<synchronous>, transform_indices = @transform_7, window_bounds = array<i64: 1, 128>}, {pipeline_mode = #tpu.pipeline_mode<synchronous>, transform_indices = @transform_8, window_bounds = array<i64: 32, 64>}, {pipeline_mode = #tpu.pipeline_mode<synchronous>, transform_indices = @transform_9, window_bounds = array<i64: 1, 64>}, {transform_indices = @transform_10, window_bounds = array<i64: 256, 32>}, {transform_indices = @transform_11, window_bounds = array<i64: 256, 128>}, {transform_indices = @transform_12, window_bounds = array<i64: 256, 128>}, {transform_indices = @transform_13, window_bounds = array<i64: 256, 64>}, {transform_indices = @transform_14, window_bounds = array<i64: 256, 64>}]} {
    %get3A = arith.constant 0 : index
    %get3A_0 = arith.constant 0 : index
    %get3A_1 = vector.load %arg3[%get3A, %get3A_0] : memref<256x128xf32, #tpu.memory_space<vmem>>, vector<256x128xf32>
    %mul3A = arith.mulf %get3A_1, %get3A_1 : vector<256x128xf32>
    %reduce_sum3A = arith.constant dense<0.000000e+00> : vector<256xf32>
    %reduce_sum3A_2 = vector.multi_reduction <add>, %mul3A, %reduce_sum3A [1] : vector<256x128xf32> to vector<256xf32>
    %broadcast_in_dim3A = vector.shape_cast %reduce_sum3A_2 : vector<256xf32> to vector<256x1xf32>
    %mul3A_3 = arith.constant 256 : i32
    %mul3A_4 = arith.muli %arg0, %mul3A_3 : i32
    %iota3A = tpu.iota {dimensions = array<i32: 0>} : vector<256x1xi32>
    %add3A = vector.broadcast %mul3A_4 : i32 to vector<256x1xi32>
    %add3A_5 = arith.addi %add3A, %iota3A : vector<256x1xi32>
    %get3A_6 = arith.constant 0 : index
    %get3A_7 = arith.constant 0 : index
    %get3A_8 = vector.load %arg5[%get3A_6, %get3A_7] : memref<256x1xi32, #tpu.memory_space<vmem>>, vector<256x1xi32>
    %iota3A_9 = tpu.iota {dimensions = array<i32: 1>} : vector<1x32xi32>
    %get3A_10 = arith.index_cast %arg0 : i32 to index
    %get3A_11 = arith.constant 0 : index
    %get3A_12 = memref.load %arg1[%get3A_10, %get3A_11] : memref<40x2xi32, #tpu.memory_space<smem>>
    %multiple_of3A = tpu.assume_multiple %get3A_12, 512 : i32
    %get3A_13 = arith.index_cast %arg0 : i32 to index
    %get3A_14 = arith.constant 1 : index
    %get3A_15 = memref.load %arg1[%get3A_13, %get3A_14] : memref<40x2xi32, #tpu.memory_space<smem>>
    %eq3A = arith.constant 1 : i32
    %eq3A_16 = arith.cmpi eq, %get3A_15, %eq3A : i32
    %convert_element_type3A = arith.extui %eq3A_16 : i1 to i32
    %cond3A = arith.constant 1073741824 : i32
    %cond3A_17 = arith.constant 0 : i32
    %cond3A_18 = arith.cmpi ne, %convert_element_type3A, %cond3A_17 : i32
    scf.if %cond3A_18 {
      %get3A_64 = arith.constant 0 : index
      %get3A_65 = arith.constant 0 : index
      %get3A_66 = vector.load %arg2[%get3A_64, %get3A_65] : memref<128x10240xf32, #tpu.memory_space<vmem>>, vector<128x10240xf32>
      %mul3A_67 = arith.mulf %get3A_66, %get3A_66 : vector<128x10240xf32>
      %reduce_sum3A_68 = arith.constant dense<0.000000e+00> : vector<10240xf32>
      %reduce_sum3A_69 = vector.multi_reduction <add>, %mul3A_67, %reduce_sum3A_68 [0] : vector<128x10240xf32> to vector<10240xf32>
      %broadcast_in_dim3A_70 = vector.shape_cast %reduce_sum3A_69 : vector<10240xf32> to vector<1x10240xf32>
      %add3A_71 = vector.broadcast %broadcast_in_dim3A : vector<256x1xf32> to vector<256x10240xf32>
      %add3A_72 = vector.broadcast %broadcast_in_dim3A_70 : vector<1x10240xf32> to vector<256x10240xf32>
      %add3A_73 = arith.addf %add3A_71, %add3A_72 : vector<256x10240xf32>
      %dot_general3A_74 = arith.constant dense<0.000000e+00> : vector<256x10240xf32>
      %dot_general3A_75 = tpu.matmul %get3A_1, %get3A_66, %dot_general3A_74 {dimension_numbers = #tpu.dot_dimension_numbers<[1], [0], [0], [1], [0, 0, 1, 1], [], []>, transpose_lhs_hint = false} : vector<256x128xf32>, vector<128x10240xf32>, vector<256x10240xf32> -> vector<256x10240xf32>
      %mul3A_76 = arith.constant 2.000000e+00 : f32
      %mul3A_77 = vector.broadcast %mul3A_76 : f32 to vector<256x10240xf32>
      %mul3A_78 = arith.mulf %mul3A_77, %dot_general3A_75 : vector<256x10240xf32>
      %sub3A_79 = arith.subf %add3A_73, %mul3A_78 : vector<256x10240xf32>
      %iota3A_80 = tpu.iota {dimensions = array<i32: 1>} : vector<1x10240xi32>
      %get3A_81 = arith.constant 0 : index
      %get3A_82 = arith.constant 0 : index
      %get3A_83 = vector.load %arg6[%get3A_81, %get3A_82] : memref<1x10240xi32, #tpu.memory_space<vmem>>, vector<1x10240xi32>
      %ne3A = vector.broadcast %get3A_8 : vector<256x1xi32> to vector<256x10240xi32>
      %ne3A_84 = vector.broadcast %get3A_83 : vector<1x10240xi32> to vector<256x10240xi32>
      %ne3A_85 = arith.cmpi ne, %ne3A, %ne3A_84 : vector<256x10240xi32>
      %eq3A_86 = vector.broadcast %iota3A_80 : vector<1x10240xi32> to vector<256x10240xi32>
      %eq3A_87 = vector.broadcast %add3A_5 : vector<256x1xi32> to vector<256x10240xi32>
      %eq3A_88 = arith.cmpi eq, %eq3A_86, %eq3A_87 : vector<256x10240xi32>
      %or3A = arith.ori %ne3A_85, %eq3A_88 : vector<256x10240xi1>
      %jit3A = arith.constant 0x7F800000 : f32
      %broadcast_in_dim3A_89 = vector.broadcast %jit3A : f32 to vector<256x10240xf32>
      %select_n3A = arith.select %or3A, %broadcast_in_dim3A_89, %sub3A_79 : vector<256x10240xi1>, vector<256x10240xf32>
      %broadcast_in_dim3A_90 = arith.constant 0 : i32
      %broadcast_in_dim3A_91 = vector.broadcast %broadcast_in_dim3A_90 : i32 to vector<256x32xi32>
      %scan3A = arith.constant 0 : i32
      %scan3A_92 = arith.constant 20 : i32
      %scan3A_93 = arith.addi %scan3A, %scan3A_92 : i32
      %scan3A_94 = arith.constant 1 : i32
      %scan3A_95:2 = scf.for %scan3A_100 = %scan3A to %scan3A_93 step %scan3A_94 iter_args(%scan3A_101 = %select_n3A, %scan3A_102 = %broadcast_in_dim3A_91) -> (vector<256x10240xf32>, vector<256x32xi32>)  : i32 {
        %reduce_min3A = arith.constant dense<0x7F800000> : vector<256xf32>
        %reduce_min3A_103 = vector.multi_reduction <minimumf>, %scan3A_101, %reduce_min3A [1] : vector<256x10240xf32> to vector<256xf32>
        %broadcast_in_dim3A_104 = vector.shape_cast %reduce_min3A_103 : vector<256xf32> to vector<256x1xf32>
        %eq3A_105 = vector.broadcast %broadcast_in_dim3A_104 : vector<256x1xf32> to vector<256x10240xf32>
        %eq3A_106 = arith.cmpf oeq, %scan3A_101, %eq3A_105 : vector<256x10240xf32>
        %broadcast_in_dim3A_107 = vector.shape_cast %iota3A_80 : vector<1x10240xi32> to vector<1x10240xi32>
        %broadcast_in_dim3A_108 = vector.broadcast %broadcast_in_dim3A_107 : vector<1x10240xi32> to vector<256x10240xi32>
        %broadcast_in_dim3A_109 = vector.broadcast %cond3A : i32 to vector<256x10240xi32>
        %select_n3A_110 = arith.select %eq3A_106, %broadcast_in_dim3A_108, %broadcast_in_dim3A_109 : vector<256x10240xi1>, vector<256x10240xi32>
        %reduce_min3A_111 = arith.constant dense<2147483647> : vector<256xi32>
        %reduce_min3A_112 = vector.multi_reduction <minsi>, %select_n3A_110, %reduce_min3A_111 [1] : vector<256x10240xi32> to vector<256xi32>
        %broadcast_in_dim3A_113 = vector.shape_cast %reduce_min3A_112 : vector<256xi32> to vector<256x1xi32>
        %eq3A_114 = vector.broadcast %scan3A_100 : i32 to vector<1x32xi32>
        %eq3A_115 = arith.cmpi eq, %iota3A_9, %eq3A_114 : vector<1x32xi32>
        %broadcast_in_dim3A_116 = vector.shape_cast %eq3A_115 : vector<1x32xi1> to vector<1x32xi1>
        %broadcast_in_dim3A_117 = vector.broadcast %broadcast_in_dim3A_116 : vector<1x32xi1> to vector<256x32xi1>
        %broadcast_in_dim3A_118 = vector.shape_cast %broadcast_in_dim3A_113 : vector<256x1xi32> to vector<256x1xi32>
        %broadcast_in_dim3A_119 = vector.broadcast %broadcast_in_dim3A_118 : vector<256x1xi32> to vector<256x32xi32>
        %select_n3A_120 = arith.select %broadcast_in_dim3A_117, %broadcast_in_dim3A_119, %scan3A_102 : vector<256x32xi1>, vector<256x32xi32>
        %eq3A_121 = vector.broadcast %iota3A_80 : vector<1x10240xi32> to vector<256x10240xi32>
        %eq3A_122 = vector.broadcast %broadcast_in_dim3A_113 : vector<256x1xi32> to vector<256x10240xi32>
        %eq3A_123 = arith.cmpi eq, %eq3A_121, %eq3A_122 : vector<256x10240xi32>
        %jit3A_124 = arith.constant 0x7F800000 : f32
        %broadcast_in_dim3A_125 = vector.broadcast %jit3A_124 : f32 to vector<256x10240xf32>
        %select_n3A_126 = arith.select %eq3A_123, %broadcast_in_dim3A_125, %scan3A_101 : vector<256x10240xi1>, vector<256x10240xf32>
        scf.yield %select_n3A_126, %select_n3A_120 : vector<256x10240xf32>, vector<256x32xi32>
      }
      %scan3A_96 = arith.constant 20 : i32
      %swap3A_97 = arith.constant 0 : index
      %swap3A_98 = arith.constant 0 : index
      %swap3A_99 = vector.load %arg11[%swap3A_97, %swap3A_98] : memref<256x32xi32, #tpu.memory_space<vmem>>, vector<256x32xi32>
      tpu.vector_store %arg11[%swap3A_97, %swap3A_98], %scan3A_95#1 {strides = array<i32>} : memref<256x32xi32, #tpu.memory_space<vmem>>, vector<256x32xi32>,
    } else {
    }
    %not3A = arith.constant true
    %not3A_19 = arith.xori %eq3A_16, %not3A : i1
    %convert_element_type3A_20 = arith.extui %not3A_19 : i1 to i32
    %cond3A_21 = arith.constant 1073741824 : i32
    %cond3A_22 = arith.constant 0 : i32
    %cond3A_23 = arith.cmpi ne, %convert_element_type3A_20, %cond3A_22 : i32
    scf.if %cond3A_23 {
      %get3A_64 = arith.constant 0 : index
      %get3A_65 = arith.index_cast %multiple_of3A : i32 to index
      %get3A_66 = vector.load %arg2[%get3A_64, %get3A_65] : memref<128x10240xf32, #tpu.memory_space<vmem>>, vector<128x4096xf32>
      %mul3A_67 = arith.mulf %get3A_66, %get3A_66 : vector<128x4096xf32>
      %reduce_sum3A_68 = arith.constant dense<0.000000e+00> : vector<4096xf32>
      %reduce_sum3A_69 = vector.multi_reduction <add>, %mul3A_67, %reduce_sum3A_68 [0] : vector<128x4096xf32> to vector<4096xf32>
      %broadcast_in_dim3A_70 = vector.shape_cast %reduce_sum3A_69 : vector<4096xf32> to vector<1x4096xf32>
      %add3A_71 = vector.broadcast %broadcast_in_dim3A : vector<256x1xf32> to vector<256x4096xf32>
      %add3A_72 = vector.broadcast %broadcast_in_dim3A_70 : vector<1x4096xf32> to vector<256x4096xf32>
      %add3A_73 = arith.addf %add3A_71, %add3A_72 : vector<256x4096xf32>
      %dot_general3A_74 = arith.constant dense<0.000000e+00> : vector<256x4096xf32>
      %dot_general3A_75 = tpu.matmul %get3A_1, %get3A_66, %dot_general3A_74 {dimension_numbers = #tpu.dot_dimension_numbers<[1], [0], [0], [1], [0, 0, 1, 1], [], []>, transpose_lhs_hint = false} : vector<256x128xf32>, vector<128x4096xf32>, vector<256x4096xf32> -> vector<256x4096xf32>
      %mul3A_76 = arith.constant 2.000000e+00 : f32
      %mul3A_77 = vector.broadcast %mul3A_76 : f32 to vector<256x4096xf32>
      %mul3A_78 = arith.mulf %mul3A_77, %dot_general3A_75 : vector<256x4096xf32>
      %sub3A_79 = arith.subf %add3A_73, %mul3A_78 : vector<256x4096xf32>
      %iota3A_80 = tpu.iota {dimensions = array<i32: 1>} : vector<1x4096xi32>
      %add3A_81 = vector.broadcast %multiple_of3A : i32 to vector<1x4096xi32>
      %add3A_82 = arith.addi %add3A_81, %iota3A_80 : vector<1x4096xi32>
      %get3A_83 = arith.constant 0 : index
      %get3A_84 = arith.index_cast %multiple_of3A : i32 to index
      %get3A_85 = vector.load %arg6[%get3A_83, %get3A_84] : memref<1x10240xi32, #tpu.memory_space<vmem>>, vector<1x4096xi32>
      %ne3A = vector.broadcast %get3A_8 : vector<256x1xi32> to vector<256x4096xi32>
      %ne3A_86 = vector.broadcast %get3A_85 : vector<1x4096xi32> to vector<256x4096xi32>
      %ne3A_87 = arith.cmpi ne, %ne3A, %ne3A_86 : vector<256x4096xi32>
      %eq3A_88 = vector.broadcast %add3A_82 : vector<1x4096xi32> to vector<256x4096xi32>
      %eq3A_89 = vector.broadcast %add3A_5 : vector<256x1xi32> to vector<256x4096xi32>
      %eq3A_90 = arith.cmpi eq, %eq3A_88, %eq3A_89 : vector<256x4096xi32>
      %or3A = arith.ori %ne3A_87, %eq3A_90 : vector<256x4096xi1>
      %jit3A = arith.constant 0x7F800000 : f32
      %broadcast_in_dim3A_91 = vector.broadcast %jit3A : f32 to vector<256x4096xf32>
      %select_n3A = arith.select %or3A, %broadcast_in_dim3A_91, %sub3A_79 : vector<256x4096xi1>, vector<256x4096xf32>
      %broadcast_in_dim3A_92 = arith.constant 0 : i32
      %broadcast_in_dim3A_93 = vector.broadcast %broadcast_in_dim3A_92 : i32 to vector<256x32xi32>
      %scan3A = arith.constant 0 : i32
      %scan3A_94 = arith.constant 20 : i32
      %scan3A_95 = arith.addi %scan3A, %scan3A_94 : i32
      %scan3A_96 = arith.constant 1 : i32
      %scan3A_97:2 = scf.for %scan3A_102 = %scan3A to %scan3A_95 step %scan3A_96 iter_args(%scan3A_103 = %select_n3A, %scan3A_104 = %broadcast_in_dim3A_93) -> (vector<256x4096xf32>, vector<256x32xi32>)  : i32 {
        %reduce_min3A = arith.constant dense<0x7F800000> : vector<256xf32>
        %reduce_min3A_105 = vector.multi_reduction <minimumf>, %scan3A_103, %reduce_min3A [1] : vector<256x4096xf32> to vector<256xf32>
        %broadcast_in_dim3A_106 = vector.shape_cast %reduce_min3A_105 : vector<256xf32> to vector<256x1xf32>
        %eq3A_107 = vector.broadcast %broadcast_in_dim3A_106 : vector<256x1xf32> to vector<256x4096xf32>
        %eq3A_108 = arith.cmpf oeq, %scan3A_103, %eq3A_107 : vector<256x4096xf32>
        %broadcast_in_dim3A_109 = vector.shape_cast %add3A_82 : vector<1x4096xi32> to vector<1x4096xi32>
        %broadcast_in_dim3A_110 = vector.broadcast %broadcast_in_dim3A_109 : vector<1x4096xi32> to vector<256x4096xi32>
        %broadcast_in_dim3A_111 = vector.broadcast %cond3A_21 : i32 to vector<256x4096xi32>
        %select_n3A_112 = arith.select %eq3A_108, %broadcast_in_dim3A_110, %broadcast_in_dim3A_111 : vector<256x4096xi1>, vector<256x4096xi32>
        %reduce_min3A_113 = arith.constant dense<2147483647> : vector<256xi32>
        %reduce_min3A_114 = vector.multi_reduction <minsi>, %select_n3A_112, %reduce_min3A_113 [1] : vector<256x4096xi32> to vector<256xi32>
        %broadcast_in_dim3A_115 = vector.shape_cast %reduce_min3A_114 : vector<256xi32> to vector<256x1xi32>
        %eq3A_116 = vector.broadcast %scan3A_102 : i32 to vector<1x32xi32>
        %eq3A_117 = arith.cmpi eq, %iota3A_9, %eq3A_116 : vector<1x32xi32>
        %broadcast_in_dim3A_118 = vector.shape_cast %eq3A_117 : vector<1x32xi1> to vector<1x32xi1>
        %broadcast_in_dim3A_119 = vector.broadcast %broadcast_in_dim3A_118 : vector<1x32xi1> to vector<256x32xi1>
        %broadcast_in_dim3A_120 = vector.shape_cast %broadcast_in_dim3A_115 : vector<256x1xi32> to vector<256x1xi32>
        %broadcast_in_dim3A_121 = vector.broadcast %broadcast_in_dim3A_120 : vector<256x1xi32> to vector<256x32xi32>
        %select_n3A_122 = arith.select %broadcast_in_dim3A_119, %broadcast_in_dim3A_121, %scan3A_104 : vector<256x32xi1>, vector<256x32xi32>
        %eq3A_123 = vector.broadcast %add3A_82 : vector<1x4096xi32> to vector<256x4096xi32>
        %eq3A_124 = vector.broadcast %broadcast_in_dim3A_115 : vector<256x1xi32> to vector<256x4096xi32>
        %eq3A_125 = arith.cmpi eq, %eq3A_123, %eq3A_124 : vector<256x4096xi32>
        %jit3A_126 = arith.constant 0x7F800000 : f32
        %broadcast_in_dim3A_127 = vector.broadcast %jit3A_126 : f32 to vector<256x4096xf32>
        %select_n3A_128 = arith.select %eq3A_125, %broadcast_in_dim3A_127, %scan3A_103 : vector<256x4096xi1>, vector<256x4096xf32>
        scf.yield %select_n3A_128, %select_n3A_122 : vector<256x4096xf32>, vector<256x32xi32>
      }
      %scan3A_98 = arith.constant 20 : i32
      %swap3A_99 = arith.constant 0 : index
      %swap3A_100 = arith.constant 0 : index
      %swap3A_101 = vector.load %arg11[%swap3A_99, %swap3A_100] : memref<256x32xi32, #tpu.memory_space<vmem>>, vector<256x32xi32>
      tpu.vector_store %arg11[%swap3A_99, %swap3A_100], %scan3A_97#1 {strides = array<i32>} : memref<256x32xi32, #tpu.memory_space<vmem>>, vector<256x32xi32>,
    } else {
    }
    %get3A_24 = arith.constant 0 : index
    %get3A_25 = arith.constant 0 : index
    %get3A_26 = vector.load %arg7[%get3A_24, %get3A_25] : memref<256x128xf32, #tpu.memory_space<vmem>>, vector<256x128xf32>
    %slice3A = vector.extract_strided_slice %get3A_26 {offsets = [0, 0], sizes = [128, 128], strides = [1, 1]} : vector<256x128xf32> to vector<128x128xf32>
    %dot_general3A = arith.constant dense<0.000000e+00> : vector<256x128xf32>
    %dot_general3A_27 = tpu.matmul %get3A_1, %slice3A, %dot_general3A {dimension_numbers = #tpu.dot_dimension_numbers<[1], [0], [0], [1], [0, 0, 1, 1], [], []>, transpose_lhs_hint = false} : vector<256x128xf32>, vector<128x128xf32>, vector<256x128xf32> -> vector<256x128xf32>
    %slice3A_28 = vector.extract_strided_slice %get3A_26 {offsets = [128, 0], sizes = [128, 128], strides = [1, 1]} : vector<256x128xf32> to vector<128x128xf32>
    %dot_general3A_29 = arith.constant dense<0.000000e+00> : vector<256x128xf32>
    %dot_general3A_30 = tpu.matmul %get3A_1, %slice3A_28, %dot_general3A_29 {dimension_numbers = #tpu.dot_dimension_numbers<[1], [0], [0], [1], [0, 0, 1, 1], [], []>, transpose_lhs_hint = false} : vector<256x128xf32>, vector<128x128xf32>, vector<256x128xf32> -> vector<256x128xf32>
    %swap3A = arith.constant 0 : index
    %swap3A_31 = arith.constant 0 : index
    %swap3A_32 = vector.load %arg12[%swap3A, %swap3A_31] : memref<256x128xf32, #tpu.memory_space<vmem>>, vector<256x128xf32>
    tpu.vector_store %arg12[%swap3A, %swap3A_31], %dot_general3A_30 {strides = array<i32>} : memref<256x128xf32, #tpu.memory_space<vmem>>, vector<256x128xf32>,
    %sub3A = arith.subf %dot_general3A_27, %dot_general3A_30 : vector<256x128xf32>
    %get3A_33 = arith.constant 0 : index
    %get3A_34 = arith.constant 0 : index
    %get3A_35 = vector.load %arg8[%get3A_33, %get3A_34] : memref<1x128xf32, #tpu.memory_space<vmem>>, vector<1x128xf32>
    %add3A_36 = vector.broadcast %get3A_35 : vector<1x128xf32> to vector<256x128xf32>
    %add3A_37 = arith.addf %sub3A, %add3A_36 : vector<256x128xf32>
    %swap3A_38 = arith.constant 0 : index
    %swap3A_39 = arith.constant 0 : index
    %swap3A_40 = vector.load %arg13[%swap3A_38, %swap3A_39] : memref<256x128xf32, #tpu.memory_space<vmem>>, vector<256x128xf32>
    tpu.vector_store %arg13[%swap3A_38, %swap3A_39], %add3A_37 {strides = array<i32>} : memref<256x128xf32, #tpu.memory_space<vmem>>, vector<256x128xf32>,
    %get3A_41 = arith.constant 0 : index
    %get3A_42 = arith.constant 0 : index
    %get3A_43 = vector.load %arg4[%get3A_41, %get3A_42] : memref<256x16xf32, #tpu.memory_space<vmem>>, vector<256x16xf32>
    %get3A_44 = arith.constant 0 : index
    %get3A_45 = arith.constant 0 : index
    %get3A_46 = vector.load %arg9[%get3A_44, %get3A_45] : memref<32x64xf32, #tpu.memory_space<vmem>>, vector<32x64xf32>
    %slice3A_47 = vector.extract_strided_slice %get3A_46 {offsets = [16, 0], sizes = [16, 64], strides = [1, 1]} : vector<32x64xf32> to vector<16x64xf32>
    %dot_general3A_48 = arith.constant dense<0.000000e+00> : vector<256x64xf32>
    %dot_general3A_49 = tpu.matmul %get3A_43, %slice3A_47, %dot_general3A_48 {dimension_numbers = #tpu.dot_dimension_numbers<[1], [0], [0], [1], [0, 0, 1, 1], [], []>, transpose_lhs_hint = false} : vector<256x16xf32>, vector<16x64xf32>, vector<256x64xf32> -> vector<256x64xf32>
    %swap3A_50 = arith.constant 0 : index
    %swap3A_51 = arith.constant 0 : index
    %swap3A_52 = vector.load %arg14[%swap3A_50, %swap3A_51] : memref<256x64xf32, #tpu.memory_space<vmem>>, vector<256x64xf32>
    tpu.vector_store %arg14[%swap3A_50, %swap3A_51], %dot_general3A_49 {strides = array<i32>} : memref<256x64xf32, #tpu.memory_space<vmem>>, vector<256x64xf32>,
    %slice3A_53 = vector.extract_strided_slice %get3A_46 {offsets = [0, 0], sizes = [16, 64], strides = [1, 1]} : vector<32x64xf32> to vector<16x64xf32>
    %dot_general3A_54 = arith.constant dense<0.000000e+00> : vector<256x64xf32>
    %dot_general3A_55 = tpu.matmul %get3A_43, %slice3A_53, %dot_general3A_54 {dimension_numbers = #tpu.dot_dimension_numbers<[1], [0], [0], [1], [0, 0, 1, 1], [], []>, transpose_lhs_hint = false} : vector<256x16xf32>, vector<16x64xf32>, vector<256x64xf32> -> vector<256x64xf32>
    %get3A_56 = arith.constant 0 : index
    %get3A_57 = arith.constant 0 : index
    %get3A_58 = vector.load %arg10[%get3A_56, %get3A_57] : memref<1x64xf32, #tpu.memory_space<vmem>>, vector<1x64xf32>
    %add3A_59 = vector.broadcast %get3A_58 : vector<1x64xf32> to vector<256x64xf32>
    %add3A_60 = arith.addf %dot_general3A_55, %add3A_59 : vector<256x64xf32>
    %swap3A_61 = arith.constant 0 : index
    %swap3A_62 = arith.constant 0 : index
    %swap3A_63 = vector.load %arg15[%swap3A_61, %swap3A_62] : memref<256x64xf32, #tpu.memory_space<vmem>>, vector<256x64xf32>
    tpu.vector_store %arg15[%swap3A_61, %swap3A_62], %add3A_60 {strides = array<i32>} : memref<256x64xf32, #tpu.memory_space<vmem>>, vector<256x64xf32>,
    return
  }
  func.func @transform_0(%arg0: i32) -> (i32, i32) {
    %c0_i32 = arith.constant 0 : i32
    %c0_i32_0 = arith.constant 0 : i32
    %c0_i32_1 = arith.constant 0 : i32
    return %c0_i32, %c0_i32_0 : i32, i32
  }
  func.func @transform_1(%arg0: i32) -> (i32, i32) {
    %c0_i32 = arith.constant 0 : i32
    %c0_i32_0 = arith.constant 0 : i32
    %c0_i32_1 = arith.constant 0 : i32
    return %c0_i32, %c0_i32_0 : i32, i32
  }
  func.func @transform_2(%arg0: i32) -> (i32, i32) {
    %c0_i32 = arith.constant 0 : i32
    %c0_i32_0 = arith.constant 0 : i32
    return %arg0, %c0_i32 : i32, i32
  }
  func.func @transform_3(%arg0: i32) -> (i32, i32) {
    %c0_i32 = arith.constant 0 : i32
    %c0_i32_0 = arith.constant 0 : i32
    return %arg0, %c0_i32 : i32, i32
  }
  func.func @transform_4(%arg0: i32) -> (i32, i32) {
    %c0_i32 = arith.constant 0 : i32
    %c0_i32_0 = arith.constant 0 : i32
    return %arg0, %c0_i32 : i32, i32
  }
  func.func @transform_5(%arg0: i32) -> (i32, i32) {
    %c0_i32 = arith.constant 0 : i32
    %c0_i32_0 = arith.constant 0 : i32
    %c0_i32_1 = arith.constant 0 : i32
    return %c0_i32, %c0_i32_0 : i32, i32
  }
  func.func @transform_6(%arg0: i32) -> (i32, i32) {
    %c0_i32 = arith.constant 0 : i32
    %c0_i32_0 = arith.constant 0 : i32
    %c0_i32_1 = arith.constant 0 : i32
    return %c0_i32, %c0_i32_0 : i32, i32
  }
  func.func @transform_7(%arg0: i32) -> (i32, i32) {
    %c0_i32 = arith.constant 0 : i32
    %c0_i32_0 = arith.constant 0 : i32
    %c0_i32_1 = arith.constant 0 : i32
    return %c0_i32, %c0_i32_0 : i32, i32
  }
  func.func @transform_8(%arg0: i32) -> (i32, i32) {
    %c0_i32 = arith.constant 0 : i32
    %c0_i32_0 = arith.constant 0 : i32
    %c0_i32_1 = arith.constant 0 : i32
    return %c0_i32, %c0_i32_0 : i32, i32
  }
  func.func @transform_9(%arg0: i32) -> (i32, i32) {
    %c0_i32 = arith.constant 0 : i32
    %c0_i32_0 = arith.constant 0 : i32
    %c0_i32_1 = arith.constant 0 : i32
    return %c0_i32, %c0_i32_0 : i32, i32
  }
  func.func @transform_10(%arg0: i32) -> (i32, i32) {
    %c0_i32 = arith.constant 0 : i32
    %c0_i32_0 = arith.constant 0 : i32
    return %arg0, %c0_i32 : i32, i32
  }
  func.func @transform_11(%arg0: i32) -> (i32, i32) {
    %c0_i32 = arith.constant 0 : i32
    %c0_i32_0 = arith.constant 0 : i32
    return %arg0, %c0_i32 : i32, i32
  }
  func.func @transform_12(%arg0: i32) -> (i32, i32) {
    %c0_i32 = arith.constant 0 : i32
    %c0_i32_0 = arith.constant 0 : i32
    return %arg0, %c0_i32 : i32, i32
  }
  func.func @transform_13(%arg0: i32) -> (i32, i32) {
    %c0_i32 = arith.constant 0 : i32
    %c0_i32_0 = arith.constant 0 : i32
    return %arg0, %c0_i32 : i32, i32
  }
  func.func @transform_14(%arg0: i32) -> (i32, i32) {
    %c0_i32 = arith.constant 0 : i32
    %c0_i32_0 = arith.constant 0 : i32
    return %arg0, %c0_i32 : i32, i32
  }
}

module attributes {stable_mosaic.version = 14 : i64} {
  func.func @_stats1_body(%arg0: i32, %arg1: memref<20x256x128xf32, #tpu.memory_space<vmem>>, %arg2: memref<256x128xf32, #tpu.memory_space<vmem>>, %arg3: memref<1x1x128xf32, #tpu.memory_space<vmem>>, %arg4: memref<1x1x128xf32, #tpu.memory_space<vmem>>) attributes {dimension_semantics = [#tpu.dimension_semantics<parallel>], iteration_bounds = array<i64: 40>, scalar_prefetch = 0 : i64, scratch_operands = 0 : i64, tpu.core_type = #tpu.core_type<tc>, window_params = [{transform_indices = @transform_0, window_bounds = array<i64: 20, 256, 128>}, {transform_indices = @transform_1, window_bounds = array<i64: 256, 128>}, {transform_indices = @transform_2, window_bounds = array<i64: 1, 1, 128>}, {transform_indices = @transform_3, window_bounds = array<i64: 1, 1, 128>}]} {
    %get3A = arith.constant 0 : index
    %get3A_0 = arith.constant 0 : index
    %get3A_1 = arith.constant 0 : index
    %get3A_2 = vector.load %arg1[%get3A, %get3A_0, %get3A_1] : memref<20x256x128xf32, #tpu.memory_space<vmem>>, vector<20x256x128xf32>
    %get3A_3 = arith.constant 0 : index
    %get3A_4 = arith.constant 0 : index
    %get3A_5 = vector.load %arg2[%get3A_3, %get3A_4] : memref<256x128xf32, #tpu.memory_space<vmem>>, vector<256x128xf32>
    %broadcast_in_dim3A = vector.shape_cast %get3A_5 : vector<256x128xf32> to vector<1x256x128xf32>
    %add3A = vector.broadcast %broadcast_in_dim3A : vector<1x256x128xf32> to vector<20x256x128xf32>
    %add3A_6 = arith.addf %get3A_2, %add3A : vector<20x256x128xf32>
    %mul3A = arith.constant 256 : i32
    %mul3A_7 = arith.muli %arg0, %mul3A : i32
    %iota3A = tpu.iota {dimensions = array<i32: 1>} : vector<1x256x1xi32>
    %add3A_8 = vector.broadcast %mul3A_7 : i32 to vector<1x256x1xi32>
    %add3A_9 = arith.addi %add3A_8, %iota3A : vector<1x256x1xi32>
    %lt3A = arith.constant 10000 : i32
    %lt3A_10 = vector.broadcast %lt3A : i32 to vector<1x256x1xi32>
    %lt3A_11 = arith.cmpi slt, %add3A_9, %lt3A_10 : vector<1x256x1xi32>
    %jit3A = arith.constant 0.000000e+00 : f32
    %broadcast_in_dim3A_12 = vector.shape_cast %lt3A_11 : vector<1x256x1xi1> to vector<1x256x1xi1>
    %broadcast_in_dim3A_13 = vector.broadcast %broadcast_in_dim3A_12 : vector<1x256x1xi1> to vector<20x256x128xi1>
    %broadcast_in_dim3A_14 = vector.broadcast %jit3A : f32 to vector<20x256x128xf32>
    %select_n3A = arith.select %broadcast_in_dim3A_13, %add3A_6, %broadcast_in_dim3A_14 : vector<20x256x128xi1>, vector<20x256x128xf32>
    %reduce_sum3A = arith.constant dense<0.000000e+00> : vector<128xf32>
    %reduce_sum3A_15 = vector.multi_reduction <add>, %select_n3A, %reduce_sum3A [0, 1] : vector<20x256x128xf32> to vector<128xf32>
    %broadcast_in_dim3A_16 = vector.shape_cast %reduce_sum3A_15 : vector<128xf32> to vector<1x1x128xf32>
    %swap3A = arith.constant 0 : index
    %swap3A_17 = arith.constant 0 : index
    %swap3A_18 = arith.constant 0 : index
    %swap3A_19 = vector.load %arg3[%swap3A, %swap3A_17, %swap3A_18] : memref<1x1x128xf32, #tpu.memory_space<vmem>>, vector<1x1x128xf32>
    tpu.vector_store %arg3[%swap3A, %swap3A_17, %swap3A_18], %broadcast_in_dim3A_16 {strides = array<i32>} : memref<1x1x128xf32, #tpu.memory_space<vmem>>, vector<1x1x128xf32>,
    %mul3A_20 = arith.mulf %select_n3A, %select_n3A : vector<20x256x128xf32>
    %reduce_sum3A_21 = arith.constant dense<0.000000e+00> : vector<128xf32>
    %reduce_sum3A_22 = vector.multi_reduction <add>, %mul3A_20, %reduce_sum3A_21 [0, 1] : vector<20x256x128xf32> to vector<128xf32>
    %broadcast_in_dim3A_23 = vector.shape_cast %reduce_sum3A_22 : vector<128xf32> to vector<1x1x128xf32>
    %swap3A_24 = arith.constant 0 : index
    %swap3A_25 = arith.constant 0 : index
    %swap3A_26 = arith.constant 0 : index
    %swap3A_27 = vector.load %arg4[%swap3A_24, %swap3A_25, %swap3A_26] : memref<1x1x128xf32, #tpu.memory_space<vmem>>, vector<1x1x128xf32>
    tpu.vector_store %arg4[%swap3A_24, %swap3A_25, %swap3A_26], %broadcast_in_dim3A_23 {strides = array<i32>} : memref<1x1x128xf32, #tpu.memory_space<vmem>>, vector<1x1x128xf32>,
    return
  }
  func.func @transform_0(%arg0: i32) -> (i32, i32, i32) {
    %c0_i32 = arith.constant 0 : i32
    %c0_i32_0 = arith.constant 0 : i32
    %c0_i32_1 = arith.constant 0 : i32
    return %c0_i32, %arg0, %c0_i32_0 : i32, i32, i32
  }
  func.func @transform_1(%arg0: i32) -> (i32, i32) {
    %c0_i32 = arith.constant 0 : i32
    %c0_i32_0 = arith.constant 0 : i32
    return %arg0, %c0_i32 : i32, i32
  }
  func.func @transform_2(%arg0: i32) -> (i32, i32, i32) {
    %c0_i32 = arith.constant 0 : i32
    %c0_i32_0 = arith.constant 0 : i32
    %c0_i32_1 = arith.constant 0 : i32
    return %arg0, %c0_i32, %c0_i32_0 : i32, i32, i32
  }
  func.func @transform_3(%arg0: i32) -> (i32, i32, i32) {
    %c0_i32 = arith.constant 0 : i32
    %c0_i32_0 = arith.constant 0 : i32
    %c0_i32_1 = arith.constant 0 : i32
    return %arg0, %c0_i32, %c0_i32_0 : i32, i32, i32
  }
}

module attributes {stable_mosaic.version = 14 : i64} {
  func.func @_stats2_body(%arg0: i32, %arg1: memref<20x256x256xf32, #tpu.memory_space<vmem>>, %arg2: memref<256x256xf32, #tpu.memory_space<vmem>>, %arg3: memref<1x128xf32, #tpu.memory_space<vmem>>, %arg4: memref<1x128xf32, #tpu.memory_space<vmem>>, %arg5: memref<128x128xf32, #tpu.memory_space<vmem>>, %arg6: memref<1x128xf32, #tpu.memory_space<vmem>>, %arg7: memref<1x1x128xf32, #tpu.memory_space<vmem>>, %arg8: memref<1x1x128xf32, #tpu.memory_space<vmem>>) attributes {dimension_semantics = [#tpu.dimension_semantics<parallel>], iteration_bounds = array<i64: 40>, scalar_prefetch = 0 : i64, scratch_operands = 0 : i64, tpu.core_type = #tpu.core_type<tc>, window_params = [{transform_indices = @transform_0, window_bounds = array<i64: 20, 256, 256>}, {transform_indices = @transform_1, window_bounds = array<i64: 256, 256>}, {pipeline_mode = #tpu.pipeline_mode<synchronous>, transform_indices = @transform_2, window_bounds = array<i64: 1, 128>}, {pipeline_mode = #tpu.pipeline_mode<synchronous>, transform_indices = @transform_3, window_bounds = array<i64: 1, 128>}, {pipeline_mode = #tpu.pipeline_mode<synchronous>, transform_indices = @transform_4, window_bounds = array<i64: 128, 128>}, {pipeline_mode = #tpu.pipeline_mode<synchronous>, transform_indices = @transform_5, window_bounds = array<i64: 1, 128>}, {transform_indices = @transform_6, window_bounds = array<i64: 1, 1, 128>}, {transform_indices = @transform_7, window_bounds = array<i64: 1, 1, 128>}]} {
    %get3A = arith.constant 0 : index
    %get3A_0 = arith.constant 0 : index
    %get3A_1 = arith.constant 0 : index
    %get3A_2 = vector.load %arg1[%get3A, %get3A_0, %get3A_1] : memref<20x256x256xf32, #tpu.memory_space<vmem>>, vector<20x256x256xf32>
    %get3A_3 = arith.constant 0 : index
    %get3A_4 = arith.constant 0 : index
    %get3A_5 = vector.load %arg2[%get3A_3, %get3A_4] : memref<256x256xf32, #tpu.memory_space<vmem>>, vector<256x256xf32>
    %slice3A = vector.extract_strided_slice %get3A_2 {offsets = [0, 0, 0], sizes = [20, 256, 128], strides = [1, 1, 1]} : vector<20x256x256xf32> to vector<20x256x128xf32>
    %slice3A_6 = vector.extract_strided_slice %get3A_5 {offsets = [0, 0], sizes = [256, 128], strides = [1, 1]} : vector<256x256xf32> to vector<256x128xf32>
    %broadcast_in_dim3A = vector.shape_cast %slice3A_6 : vector<256x128xf32> to vector<1x256x128xf32>
    %add3A = vector.broadcast %broadcast_in_dim3A : vector<1x256x128xf32> to vector<20x256x128xf32>
    %add3A_7 = arith.addf %slice3A, %add3A : vector<20x256x128xf32>
    %reshape3A = vector.shape_cast %add3A_7 : vector<20x256x128xf32> to vector<5120x128xf32>
    %get3A_8 = arith.constant 0 : index
    %get3A_9 = arith.constant 0 : index
    %get3A_10 = vector.load %arg3[%get3A_8, %get3A_9] : memref<1x128xf32, #tpu.memory_space<vmem>>, vector<1x128xf32>
    %mul3A = vector.broadcast %get3A_10 : vector<1x128xf32> to vector<5120x128xf32>
    %mul3A_11 = arith.mulf %reshape3A, %mul3A : vector<5120x128xf32>
    %get3A_12 = arith.constant 0 : index
    %get3A_13 = arith.constant 0 : index
    %get3A_14 = vector.load %arg4[%get3A_12, %get3A_13] : memref<1x128xf32, #tpu.memory_space<vmem>>, vector<1x128xf32>
    %add3A_15 = vector.broadcast %get3A_14 : vector<1x128xf32> to vector<5120x128xf32>
    %add3A_16 = arith.addf %mul3A_11, %add3A_15 : vector<5120x128xf32>
    %max3A = arith.constant 0.000000e+00 : f32
    %max3A_17 = vector.broadcast %max3A : f32 to vector<5120x128xf32>
    %max3A_18 = arith.maximumf %add3A_16, %max3A_17 : vector<5120x128xf32>
    %get3A_19 = arith.constant 0 : index
    %get3A_20 = arith.constant 0 : index
    %get3A_21 = vector.load %arg5[%get3A_19, %get3A_20] : memref<128x128xf32, #tpu.memory_space<vmem>>, vector<128x128xf32>
    %dot_general3A = arith.constant dense<0.000000e+00> : vector<5120x128xf32>
    %dot_general3A_22 = tpu.matmul %max3A_18, %get3A_21, %dot_general3A {dimension_numbers = #tpu.dot_dimension_numbers<[1], [0], [0], [1], [0, 0, 1, 1], [], []>, transpose_lhs_hint = false} : vector<5120x128xf32>, vector<128x128xf32>, vector<5120x128xf32> -> vector<5120x128xf32>
    %get3A_23 = arith.constant 0 : index
    %get3A_24 = arith.constant 0 : index
    %get3A_25 = vector.load %arg6[%get3A_23, %get3A_24] : memref<1x128xf32, #tpu.memory_space<vmem>>, vector<1x128xf32>
    %add3A_26 = vector.broadcast %get3A_25 : vector<1x128xf32> to vector<5120x128xf32>
    %add3A_27 = arith.addf %dot_general3A_22, %add3A_26 : vector<5120x128xf32>
    %iota3A = tpu.iota {dimensions = array<i32: 0>} : vector<5120x1xi32>
    %jit3A = arith.constant 256 : i32
    %eq3A = arith.constant 0 : i32
    %eq3A_28 = arith.cmpi eq, %jit3A, %eq3A : i32
    %jit3A_29 = arith.constant 1 : i32
    %select_n3A = arith.select %eq3A_28, %jit3A_29, %jit3A : i32
    %rem3A = vector.broadcast %select_n3A : i32 to vector<5120x1xi32>
    %rem3A_30 = arith.remsi %iota3A, %rem3A : vector<5120x1xi32>
    %ne3A = arith.constant 0 : i32
    %ne3A_31 = vector.broadcast %ne3A : i32 to vector<5120x1xi32>
    %ne3A_32 = arith.cmpi ne, %rem3A_30, %ne3A_31 : vector<5120x1xi32>
    %lt3A = arith.constant 0 : i32
    %lt3A_33 = vector.broadcast %lt3A : i32 to vector<5120x1xi32>
    %lt3A_34 = arith.cmpi slt, %rem3A_30, %lt3A_33 : vector<5120x1xi32>
    %lt3A_35 = arith.constant 0 : i32
    %lt3A_36 = arith.cmpi slt, %select_n3A, %lt3A_35 : i32
    %ne3A_37 = vector.broadcast %lt3A_36 : i1 to vector<5120x1xi1>
    %ne3A_38 = vector.broadcast %ne3A_37 : vector<5120x1xi1> to vector<5120x1xi1>
    %ne3A_39 = arith.xori %lt3A_34, %ne3A_38 : vector<5120x1xi1>
    %and3A = arith.andi %ne3A_39, %ne3A_32 : vector<5120x1xi1>
    %add3A_40 = vector.broadcast %select_n3A : i32 to vector<5120x1xi32>
    %add3A_41 = arith.addi %rem3A_30, %add3A_40 : vector<5120x1xi32>
    %select_n3A_42 = arith.select %and3A, %add3A_41, %rem3A_30 : vector<5120x1xi1>, vector<5120x1xi32>
    %mul3A_43 = arith.constant 256 : i32
    %mul3A_44 = arith.muli %arg0, %mul3A_43 : i32
    %add3A_45 = vector.broadcast %mul3A_44 : i32 to vector<5120x1xi32>
    %add3A_46 = arith.addi %add3A_45, %select_n3A_42 : vector<5120x1xi32>
    %lt3A_47 = arith.constant 10000 : i32
    %lt3A_48 = vector.broadcast %lt3A_47 : i32 to vector<5120x1xi32>
    %lt3A_49 = arith.cmpi slt, %add3A_46, %lt3A_48 : vector<5120x1xi32>
    %jit3A_50 = arith.constant 0.000000e+00 : f32
    %broadcast_in_dim3A_51 = vector.shape_cast %lt3A_49 : vector<5120x1xi1> to vector<5120x1xi1>
    %broadcast_in_dim3A_52 = vector.broadcast %broadcast_in_dim3A_51 : vector<5120x1xi1> to vector<5120x128xi1>
    %broadcast_in_dim3A_53 = vector.broadcast %jit3A_50 : f32 to vector<5120x128xf32>
    %select_n3A_54 = arith.select %broadcast_in_dim3A_52, %add3A_27, %broadcast_in_dim3A_53 : vector<5120x128xi1>, vector<5120x128xf32>
    %reduce_sum3A = arith.constant dense<0.000000e+00> : vector<128xf32>
    %reduce_sum3A_55 = vector.multi_reduction <add>, %select_n3A_54, %reduce_sum3A [0] : vector<5120x128xf32> to vector<128xf32>
    %broadcast_in_dim3A_56 = vector.shape_cast %reduce_sum3A_55 : vector<128xf32> to vector<1x1x128xf32>
    %swap3A = arith.constant 0 : index
    %swap3A_57 = arith.constant 0 : index
    %swap3A_58 = arith.constant 0 : index
    %swap3A_59 = vector.load %arg7[%swap3A, %swap3A_57, %swap3A_58] : memref<1x1x128xf32, #tpu.memory_space<vmem>>, vector<1x1x128xf32>
    tpu.vector_store %arg7[%swap3A, %swap3A_57, %swap3A_58], %broadcast_in_dim3A_56 {strides = array<i32>} : memref<1x1x128xf32, #tpu.memory_space<vmem>>, vector<1x1x128xf32>,
    %mul3A_60 = arith.mulf %select_n3A_54, %select_n3A_54 : vector<5120x128xf32>
    %reduce_sum3A_61 = arith.constant dense<0.000000e+00> : vector<128xf32>
    %reduce_sum3A_62 = vector.multi_reduction <add>, %mul3A_60, %reduce_sum3A_61 [0] : vector<5120x128xf32> to vector<128xf32>
    %broadcast_in_dim3A_63 = vector.shape_cast %reduce_sum3A_62 : vector<128xf32> to vector<1x1x128xf32>
    %swap3A_64 = arith.constant 0 : index
    %swap3A_65 = arith.constant 0 : index
    %swap3A_66 = arith.constant 0 : index
    %swap3A_67 = vector.load %arg8[%swap3A_64, %swap3A_65, %swap3A_66] : memref<1x1x128xf32, #tpu.memory_space<vmem>>, vector<1x1x128xf32>
    tpu.vector_store %arg8[%swap3A_64, %swap3A_65, %swap3A_66], %broadcast_in_dim3A_63 {strides = array<i32>} : memref<1x1x128xf32, #tpu.memory_space<vmem>>, vector<1x1x128xf32>,
    return
  }
  func.func @transform_0(%arg0: i32) -> (i32, i32, i32) {
    %c0_i32 = arith.constant 0 : i32
    %c0_i32_0 = arith.constant 0 : i32
    %c0_i32_1 = arith.constant 0 : i32
    return %c0_i32, %arg0, %c0_i32_0 : i32, i32, i32
  }
  func.func @transform_1(%arg0: i32) -> (i32, i32) {
    %c0_i32 = arith.constant 0 : i32
    %c0_i32_0 = arith.constant 0 : i32
    return %arg0, %c0_i32 : i32, i32
  }
  func.func @transform_2(%arg0: i32) -> (i32, i32) {
    %c0_i32 = arith.constant 0 : i32
    %c0_i32_0 = arith.constant 0 : i32
    %c0_i32_1 = arith.constant 0 : i32
    return %c0_i32, %c0_i32_0 : i32, i32
  }
  func.func @transform_3(%arg0: i32) -> (i32, i32) {
    %c0_i32 = arith.constant 0 : i32
    %c0_i32_0 = arith.constant 0 : i32
    %c0_i32_1 = arith.constant 0 : i32
    return %c0_i32, %c0_i32_0 : i32, i32
  }
  func.func @transform_4(%arg0: i32) -> (i32, i32) {
    %c0_i32 = arith.constant 0 : i32
    %c0_i32_0 = arith.constant 0 : i32
    %c0_i32_1 = arith.constant 0 : i32
    return %c0_i32, %c0_i32_0 : i32, i32
  }
  func.func @transform_5(%arg0: i32) -> (i32, i32) {
    %c0_i32 = arith.constant 0 : i32
    %c0_i32_0 = arith.constant 0 : i32
    %c0_i32_1 = arith.constant 0 : i32
    return %c0_i32, %c0_i32_0 : i32, i32
  }
  func.func @transform_6(%arg0: i32) -> (i32, i32, i32) {
    %c0_i32 = arith.constant 0 : i32
    %c0_i32_0 = arith.constant 0 : i32
    %c0_i32_1 = arith.constant 0 : i32
    return %arg0, %c0_i32, %c0_i32_0 : i32, i32, i32
  }
  func.func @transform_7(%arg0: i32) -> (i32, i32, i32) {
    %c0_i32 = arith.constant 0 : i32
    %c0_i32_0 = arith.constant 0 : i32
    %c0_i32_1 = arith.constant 0 : i32
    return %arg0, %c0_i32, %c0_i32_0 : i32, i32, i32
  }
}

module attributes {stable_mosaic.version = 14 : i64} {
  func.func @_final_body(%arg0: i32, %arg1: memref<20x256x256xf32, #tpu.memory_space<vmem>>, %arg2: memref<256x256xf32, #tpu.memory_space<vmem>>, %arg3: memref<1x128xf32, #tpu.memory_space<vmem>>, %arg4: memref<1x128xf32, #tpu.memory_space<vmem>>, %arg5: memref<1x128xf32, #tpu.memory_space<vmem>>, %arg6: memref<1x128xf32, #tpu.memory_space<vmem>>, %arg7: memref<128x128xf32, #tpu.memory_space<vmem>>, %arg8: memref<1x128xf32, #tpu.memory_space<vmem>>, %arg9: memref<64x256xf32, #tpu.memory_space<vmem>>, %arg10: memref<1x256xf32, #tpu.memory_space<vmem>>, %arg11: memref<1x128xf32, #tpu.memory_space<vmem>>, %arg12: memref<1x128xf32, #tpu.memory_space<vmem>>, %arg13: memref<256x128xf32, #tpu.memory_space<vmem>>) attributes {dimension_semantics = [#tpu.dimension_semantics<parallel>], iteration_bounds = array<i64: 40>, scalar_prefetch = 0 : i64, scratch_operands = 0 : i64, tpu.core_type = #tpu.core_type<tc>, window_params = [{transform_indices = @transform_0, window_bounds = array<i64: 20, 256, 256>}, {transform_indices = @transform_1, window_bounds = array<i64: 256, 256>}, {pipeline_mode = #tpu.pipeline_mode<synchronous>, transform_indices = @transform_2, window_bounds = array<i64: 1, 128>}, {pipeline_mode = #tpu.pipeline_mode<synchronous>, transform_indices = @transform_3, window_bounds = array<i64: 1, 128>}, {pipeline_mode = #tpu.pipeline_mode<synchronous>, transform_indices = @transform_4, window_bounds = array<i64: 1, 128>}, {pipeline_mode = #tpu.pipeline_mode<synchronous>, transform_indices = @transform_5, window_bounds = array<i64: 1, 128>}, {pipeline_mode = #tpu.pipeline_mode<synchronous>, transform_indices = @transform_6, window_bounds = array<i64: 128, 128>}, {pipeline_mode = #tpu.pipeline_mode<synchronous>, transform_indices = @transform_7, window_bounds = array<i64: 1, 128>}, {pipeline_mode = #tpu.pipeline_mode<synchronous>, transform_indices = @transform_8, window_bounds = array<i64: 64, 256>}, {pipeline_mode = #tpu.pipeline_mode<synchronous>, transform_indices = @transform_9, window_bounds = array<i64: 1, 256>}, {pipeline_mode = #tpu.pipeline_mode<synchronous>, transform_indices = @transform_10, window_bounds = array<i64: 1, 128>}, {pipeline_mode = #tpu.pipeline_mode<synchronous>, transform_indices = @transform_11, window_bounds = array<i64: 1, 128>}, {transform_indices = @transform_12, window_bounds = array<i64: 256, 128>}]} {
    %get3A = arith.constant 0 : index
    %get3A_0 = arith.constant 0 : index
    %get3A_1 = arith.constant 0 : index
    %get3A_2 = vector.load %arg1[%get3A, %get3A_0, %get3A_1] : memref<20x256x256xf32, #tpu.memory_space<vmem>>, vector<20x256x256xf32>
    %get3A_3 = arith.constant 0 : index
    %get3A_4 = arith.constant 0 : index
    %get3A_5 = vector.load %arg2[%get3A_3, %get3A_4] : memref<256x256xf32, #tpu.memory_space<vmem>>, vector<256x256xf32>
    %slice3A = vector.extract_strided_slice %get3A_2 {offsets = [0, 0, 0], sizes = [20, 256, 128], strides = [1, 1, 1]} : vector<20x256x256xf32> to vector<20x256x128xf32>
    %slice3A_6 = vector.extract_strided_slice %get3A_5 {offsets = [0, 0], sizes = [256, 128], strides = [1, 1]} : vector<256x256xf32> to vector<256x128xf32>
    %broadcast_in_dim3A = vector.shape_cast %slice3A_6 : vector<256x128xf32> to vector<1x256x128xf32>
    %add3A = vector.broadcast %broadcast_in_dim3A : vector<1x256x128xf32> to vector<20x256x128xf32>
    %add3A_7 = arith.addf %slice3A, %add3A : vector<20x256x128xf32>
    %reshape3A = vector.shape_cast %add3A_7 : vector<20x256x128xf32> to vector<5120x128xf32>
    %get3A_8 = arith.constant 0 : index
    %get3A_9 = arith.constant 0 : index
    %get3A_10 = vector.load %arg3[%get3A_8, %get3A_9] : memref<1x128xf32, #tpu.memory_space<vmem>>, vector<1x128xf32>
    %mul3A = vector.broadcast %get3A_10 : vector<1x128xf32> to vector<5120x128xf32>
    %mul3A_11 = arith.mulf %reshape3A, %mul3A : vector<5120x128xf32>
    %get3A_12 = arith.constant 0 : index
    %get3A_13 = arith.constant 0 : index
    %get3A_14 = vector.load %arg4[%get3A_12, %get3A_13] : memref<1x128xf32, #tpu.memory_space<vmem>>, vector<1x128xf32>
    %add3A_15 = vector.broadcast %get3A_14 : vector<1x128xf32> to vector<5120x128xf32>
    %add3A_16 = arith.addf %mul3A_11, %add3A_15 : vector<5120x128xf32>
    %max3A = arith.constant 0.000000e+00 : f32
    %max3A_17 = vector.broadcast %max3A : f32 to vector<5120x128xf32>
    %max3A_18 = arith.maximumf %add3A_16, %max3A_17 : vector<5120x128xf32>
    %get3A_19 = arith.constant 0 : index
    %get3A_20 = arith.constant 0 : index
    %get3A_21 = vector.load %arg7[%get3A_19, %get3A_20] : memref<128x128xf32, #tpu.memory_space<vmem>>, vector<128x128xf32>
    %dot_general3A = arith.constant dense<0.000000e+00> : vector<5120x128xf32>
    %dot_general3A_22 = tpu.matmul %max3A_18, %get3A_21, %dot_general3A {dimension_numbers = #tpu.dot_dimension_numbers<[1], [0], [0], [1], [0, 0, 1, 1], [], []>, transpose_lhs_hint = false} : vector<5120x128xf32>, vector<128x128xf32>, vector<5120x128xf32> -> vector<5120x128xf32>
    %get3A_23 = arith.constant 0 : index
    %get3A_24 = arith.constant 0 : index
    %get3A_25 = vector.load %arg8[%get3A_23, %get3A_24] : memref<1x128xf32, #tpu.memory_space<vmem>>, vector<1x128xf32>
    %add3A_26 = vector.broadcast %get3A_25 : vector<1x128xf32> to vector<5120x128xf32>
    %add3A_27 = arith.addf %dot_general3A_22, %add3A_26 : vector<5120x128xf32>
    %get3A_28 = arith.constant 0 : index
    %get3A_29 = arith.constant 0 : index
    %get3A_30 = vector.load %arg5[%get3A_28, %get3A_29] : memref<1x128xf32, #tpu.memory_space<vmem>>, vector<1x128xf32>
    %mul3A_31 = vector.broadcast %get3A_30 : vector<1x128xf32> to vector<5120x128xf32>
    %mul3A_32 = arith.mulf %add3A_27, %mul3A_31 : vector<5120x128xf32>
    %get3A_33 = arith.constant 0 : index
    %get3A_34 = arith.constant 0 : index
    %get3A_35 = vector.load %arg6[%get3A_33, %get3A_34] : memref<1x128xf32, #tpu.memory_space<vmem>>, vector<1x128xf32>
    %add3A_36 = vector.broadcast %get3A_35 : vector<1x128xf32> to vector<5120x128xf32>
    %add3A_37 = arith.addf %mul3A_32, %add3A_36 : vector<5120x128xf32>
    %max3A_38 = arith.constant 0.000000e+00 : f32
    %max3A_39 = vector.broadcast %max3A_38 : f32 to vector<5120x128xf32>
    %max3A_40 = arith.maximumf %add3A_37, %max3A_39 : vector<5120x128xf32>
    %slice3A_41 = vector.extract_strided_slice %get3A_2 {offsets = [0, 0, 128], sizes = [20, 256, 64], strides = [1, 1, 1]} : vector<20x256x256xf32> to vector<20x256x64xf32>
    %slice3A_42 = vector.extract_strided_slice %get3A_5 {offsets = [0, 128], sizes = [256, 64], strides = [1, 1]} : vector<256x256xf32> to vector<256x64xf32>
    %broadcast_in_dim3A_43 = vector.shape_cast %slice3A_42 : vector<256x64xf32> to vector<1x256x64xf32>
    %add3A_44 = vector.broadcast %broadcast_in_dim3A_43 : vector<1x256x64xf32> to vector<20x256x64xf32>
    %add3A_45 = arith.addf %slice3A_41, %add3A_44 : vector<20x256x64xf32>
    %reshape3A_46 = vector.shape_cast %add3A_45 : vector<20x256x64xf32> to vector<5120x64xf32>
    %max3A_47 = arith.constant 0.000000e+00 : f32
    %max3A_48 = vector.broadcast %max3A_47 : f32 to vector<5120x64xf32>
    %max3A_49 = arith.maximumf %reshape3A_46, %max3A_48 : vector<5120x64xf32>
    %get3A_50 = arith.constant 0 : index
    %get3A_51 = arith.constant 0 : index
    %get3A_52 = vector.load %arg9[%get3A_50, %get3A_51] : memref<64x256xf32, #tpu.memory_space<vmem>>, vector<64x256xf32>
    %dot_general3A_53 = arith.constant dense<0.000000e+00> : vector<5120x256xf32>
    %dot_general3A_54 = tpu.matmul %max3A_49, %get3A_52, %dot_general3A_53 {dimension_numbers = #tpu.dot_dimension_numbers<[1], [0], [0], [1], [0, 0, 1, 1], [], []>, transpose_lhs_hint = false} : vector<5120x64xf32>, vector<64x256xf32>, vector<5120x256xf32> -> vector<5120x256xf32>
    %get3A_55 = arith.constant 0 : index
    %get3A_56 = arith.constant 0 : index
    %get3A_57 = vector.load %arg10[%get3A_55, %get3A_56] : memref<1x256xf32, #tpu.memory_space<vmem>>, vector<1x256xf32>
    %add3A_58 = vector.broadcast %get3A_57 : vector<1x256xf32> to vector<5120x256xf32>
    %add3A_59 = arith.addf %dot_general3A_54, %add3A_58 : vector<5120x256xf32>
    %slice3A_60 = vector.extract_strided_slice %add3A_59 {offsets = [0, 0], sizes = [5120, 128], strides = [1, 1]} : vector<5120x256xf32> to vector<5120x128xf32>
    %add3A_61 = arith.constant 1.000000e+00 : f32
    %add3A_62 = vector.broadcast %add3A_61 : f32 to vector<5120x128xf32>
    %add3A_63 = arith.addf %slice3A_60, %add3A_62 : vector<5120x128xf32>
    %logistic3A = arith.negf %add3A_63 : vector<5120x128xf32>
    %logistic3A_64 = math.exp %logistic3A : vector<5120x128xf32>
    %logistic3A_65 = arith.constant 1.000000e+00 : f32
    %logistic3A_66 = vector.broadcast %logistic3A_65 : f32 to vector<5120x128xf32>
    %logistic3A_67 = arith.addf %logistic3A_66, %logistic3A_64 : vector<5120x128xf32>
    %logistic3A_68 = arith.divf %logistic3A_66, %logistic3A_67 : vector<5120x128xf32>
    %slice3A_69 = vector.extract_strided_slice %add3A_59 {offsets = [0, 128], sizes = [5120, 128], strides = [1, 1]} : vector<5120x256xf32> to vector<5120x128xf32>
    %mul3A_70 = arith.mulf %logistic3A_68, %max3A_40 : vector<5120x128xf32>
    %add3A_71 = arith.addf %mul3A_70, %slice3A_69 : vector<5120x128xf32>
    %reshape3A_72 = vector.shape_cast %add3A_71 : vector<5120x128xf32> to vector<20x256x128xf32>
    %reduce_max3A = arith.constant dense<0xFF800000> : vector<256x128xf32>
    %reduce_max3A_73 = vector.multi_reduction <maximumf>, %reshape3A_72, %reduce_max3A [0] : vector<20x256x128xf32> to vector<256x128xf32>
    %reduce_sum3A = arith.constant dense<0.000000e+00> : vector<256xf32>
    %reduce_sum3A_74 = vector.multi_reduction <add>, %reduce_max3A_73, %reduce_sum3A [1] : vector<256x128xf32> to vector<256xf32>
    %broadcast_in_dim3A_75 = vector.shape_cast %reduce_sum3A_74 : vector<256xf32> to vector<256x1xf32>
    %div3A = arith.constant 1.280000e+02 : f32
    %div3A_76 = vector.broadcast %div3A : f32 to vector<256x1xf32>
    %div3A_77 = arith.divf %broadcast_in_dim3A_75, %div3A_76 : vector<256x1xf32>
    %sub3A = vector.broadcast %div3A_77 : vector<256x1xf32> to vector<256x128xf32>
    %sub3A_78 = arith.subf %reduce_max3A_73, %sub3A : vector<256x128xf32>
    %mul3A_79 = arith.mulf %sub3A_78, %sub3A_78 : vector<256x128xf32>
    %reduce_sum3A_80 = arith.constant dense<0.000000e+00> : vector<256xf32>
    %reduce_sum3A_81 = vector.multi_reduction <add>, %mul3A_79, %reduce_sum3A_80 [1] : vector<256x128xf32> to vector<256xf32>
    %broadcast_in_dim3A_82 = vector.shape_cast %reduce_sum3A_81 : vector<256xf32> to vector<256x1xf32>
    %div3A_83 = arith.constant 1.280000e+02 : f32
    %div3A_84 = vector.broadcast %div3A_83 : f32 to vector<256x1xf32>
    %div3A_85 = arith.divf %broadcast_in_dim3A_82, %div3A_84 : vector<256x1xf32>
    %add3A_86 = arith.constant 9.99999974E-6 : f32
    %add3A_87 = vector.broadcast %add3A_86 : f32 to vector<256x1xf32>
    %add3A_88 = arith.addf %div3A_85, %add3A_87 : vector<256x1xf32>
    %sqrt3A = math.sqrt %add3A_88 : vector<256x1xf32>
    %div3A_89 = vector.broadcast %sqrt3A : vector<256x1xf32> to vector<256x128xf32>
    %div3A_90 = arith.divf %sub3A_78, %div3A_89 : vector<256x128xf32>
    %get3A_91 = arith.constant 0 : index
    %get3A_92 = arith.constant 0 : index
    %get3A_93 = vector.load %arg11[%get3A_91, %get3A_92] : memref<1x128xf32, #tpu.memory_space<vmem>>, vector<1x128xf32>
    %mul3A_94 = vector.broadcast %get3A_93 : vector<1x128xf32> to vector<256x128xf32>
    %mul3A_95 = arith.mulf %div3A_90, %mul3A_94 : vector<256x128xf32>
    %get3A_96 = arith.constant 0 : index
    %get3A_97 = arith.constant 0 : index
    %get3A_98 = vector.load %arg12[%get3A_96, %get3A_97] : memref<1x128xf32, #tpu.memory_space<vmem>>, vector<1x128xf32>
    %add3A_99 = vector.broadcast %get3A_98 : vector<1x128xf32> to vector<256x128xf32>
    %add3A_100 = arith.addf %mul3A_95, %add3A_99 : vector<256x128xf32>
    %max3A_101 = arith.constant 0.000000e+00 : f32
    %max3A_102 = vector.broadcast %max3A_101 : f32 to vector<256x128xf32>
    %max3A_103 = arith.maximumf %add3A_100, %max3A_102 : vector<256x128xf32>
    %swap3A = arith.constant 0 : index
    %swap3A_104 = arith.constant 0 : index
    %swap3A_105 = vector.load %arg13[%swap3A, %swap3A_104] : memref<256x128xf32, #tpu.memory_space<vmem>>, vector<256x128xf32>
    tpu.vector_store %arg13[%swap3A, %swap3A_104], %max3A_103 {strides = array<i32>} : memref<256x128xf32, #tpu.memory_space<vmem>>, vector<256x128xf32>,
    return
  }
  func.func @transform_0(%arg0: i32) -> (i32, i32, i32) {
    %c0_i32 = arith.constant 0 : i32
    %c0_i32_0 = arith.constant 0 : i32
    %c0_i32_1 = arith.constant 0 : i32
    return %c0_i32, %arg0, %c0_i32_0 : i32, i32, i32
  }
  func.func @transform_1(%arg0: i32) -> (i32, i32) {
    %c0_i32 = arith.constant 0 : i32
    %c0_i32_0 = arith.constant 0 : i32
    return %arg0, %c0_i32 : i32, i32
  }
  func.func @transform_2(%arg0: i32) -> (i32, i32) {
    %c0_i32 = arith.constant 0 : i32
    %c0_i32_0 = arith.constant 0 : i32
    %c0_i32_1 = arith.constant 0 : i32
    return %c0_i32, %c0_i32_0 : i32, i32
  }
  func.func @transform_3(%arg0: i32) -> (i32, i32) {
    %c0_i32 = arith.constant 0 : i32
    %c0_i32_0 = arith.constant 0 : i32
    %c0_i32_1 = arith.constant 0 : i32
    return %c0_i32, %c0_i32_0 : i32, i32
  }
  func.func @transform_4(%arg0: i32) -> (i32, i32) {
    %c0_i32 = arith.constant 0 : i32
    %c0_i32_0 = arith.constant 0 : i32
    %c0_i32_1 = arith.constant 0 : i32
    return %c0_i32, %c0_i32_0 : i32, i32
  }
  func.func @transform_5(%arg0: i32) -> (i32, i32) {
    %c0_i32 = arith.constant 0 : i32
    %c0_i32_0 = arith.constant 0 : i32
    %c0_i32_1 = arith.constant 0 : i32
    return %c0_i32, %c0_i32_0 : i32, i32
  }
  func.func @transform_6(%arg0: i32) -> (i32, i32) {
    %c0_i32 = arith.constant 0 : i32
    %c0_i32_0 = arith.constant 0 : i32
    %c0_i32_1 = arith.constant 0 : i32
    return %c0_i32, %c0_i32_0 : i32, i32
  }
  func.func @transform_7(%arg0: i32) -> (i32, i32) {
    %c0_i32 = arith.constant 0 : i32
    %c0_i32_0 = arith.constant 0 : i32
    %c0_i32_1 = arith.constant 0 : i32
    return %c0_i32, %c0_i32_0 : i32, i32
  }
  func.func @transform_8(%arg0: i32) -> (i32, i32) {
    %c0_i32 = arith.constant 0 : i32
    %c0_i32_0 = arith.constant 0 : i32
    %c0_i32_1 = arith.constant 0 : i32
    return %c0_i32, %c0_i32_0 : i32, i32
  }
  func.func @transform_9(%arg0: i32) -> (i32, i32) {
    %c0_i32 = arith.constant 0 : i32
    %c0_i32_0 = arith.constant 0 : i32
    %c0_i32_1 = arith.constant 0 : i32
    return %c0_i32, %c0_i32_0 : i32, i32
  }
  func.func @transform_10(%arg0: i32) -> (i32, i32) {
    %c0_i32 = arith.constant 0 : i32
    %c0_i32_0 = arith.constant 0 : i32
    %c0_i32_1 = arith.constant 0 : i32
    return %c0_i32, %c0_i32_0 : i32, i32
  }
  func.func @transform_11(%arg0: i32) -> (i32, i32) {
    %c0_i32 = arith.constant 0 : i32
    %c0_i32_0 = arith.constant 0 : i32
    %c0_i32_1 = arith.constant 0 : i32
    return %c0_i32, %c0_i32_0 : i32, i32
  }
  func.func @transform_12(%arg0: i32) -> (i32, i32) {
    %c0_i32 = arith.constant 0 : i32
    %c0_i32_0 = arith.constant 0 : i32
    return %arg0, %c0_i32 : i32, i32
  }
}

</mosaic_0001>

<sc_bundles>
// kernel: kernel.7.cloned.1.call-start
scs
__scs_entry_jumppad:
0x0: {  	(pc) =	sbr.rel $0x88, $3  }
0x1: {  	(tag) =	ssettag $0x0;
	lr =	simm.s32 $0x1  }
0x2: {  	[smem:$0x3F90] =	sst lr;
	_ =	strace $0xD0000000  }
0x3: {  	_ = 	snop  }
0x4: {  	_ = 	snop  }
0x5: {  	_ = 	snop  }
0x6: {  	_ = 	snop  }
0x7: {  	_ = 	snop  }
__scs_overlays_trampoline_lowered:
0x8: {  	[smem:$0x3F9F] =	sst s0  }
0x9: {  	[smem:$0x3FA0] =	sst s1  }
0xa: {  	[smem:$0x3FA1] =	sst s2  }
0xb: {  	[smem:$0x3FA2] =	sst s3  }
0xc: {  	[smem:$0x3FA3] =	sst s4  }
0xd: {  	[smem:$0x3FA4] =	sst s5  }
0xe: {  	[smem:$0x3FA5] =	sst s6  }
0xf: {  	[smem:$0x3FA6] =	sst s7  }
0x10: {  	[smem:$0x3FA7] =	sst s8  }
0x11: {  	[smem:$0x3FA8] =	sst s9;
	s0 =	simm.s32 @!p0 $0x0  }
0x12: {  	s1 =	sld [smem:$0x3F8E];
	s0 =	simm.s32 @p0 $0x1  }
0x13: {  	[smem:$0x3FA9] =	sst s0;
	s0 =	simm.s32 @!p1 $0x0  }
0x14: {  	s2 =	sld [smem:$0x3F8D];
	s0 =	simm.s32 @p1 $0x1  }
0x15: {  	[smem:$0x3FAA] =	sst s0;
	s0 =	simm.s32 @!p2 $0x0  }
0x16: {  	s3 =	sld [smem:$0x3FDB];
	s0 =	simm.s32 @p2 $0x1  }
0x17: {  	s4 =	simm.s32 $0x1BF5;
	[smem:$0x3FAC] =	sst s0  }
0x18: {  	s0 =	sld [smem:$0x3F8F];
	_ =	swait.ge [sflag:s4], $0x0  }
0x19: {  	s7 =	sld [smem:$0x3F90]  }
0x1a: {  	s8 =	sadd.s32 $0xFFFFE003, lr  }
0x1b: {  	s9 =	sadd.s32 $0xFFFFFEF7, lr;
	s5 =	simm.s32 $0xFFFFFFFF;
	p2 =	slt.u32 s8, $0xFFFFF086  }
0x1c: {  	p1 =	slt.u32 s9, $0xF7A;
	s5 =	simm.s32 @!p2 $0x0  }
0x1d: {  	s5 =	simm.s32 @p1 $0x1;
	p0 =	seq.s32 s7, s2  }
0x1e: {  	s7 =	smul.u32 @!p0 $0xF7A, s2;
	p2 =	seq.s32 @!p0 s5, $0x0  }
0x1f: {  	s9 =	smul.u32 $0xF7A, s1;
	s8 =	simm.s32 @!p0 $0x1BF5;
	p2 =	por !p2, p0  }
0x20: {  	[sflag:s8] =	ssyncset.s32 @!p0 $0xFFFFF086;
	s6 =	sadd.s32 @!p0 s3, s7;
	s7 =	simm.s32 @!p0 $0x108  }
0x21: {  	s3 =	sadd.s32 s3, s9;
	s6 =	sadd.s32 @!p0 $0x88, s6;
	s7 =	simm.s32 @p2 $0x1082  }
0x22: {  	[simem:s7], [sflag:s8] =	dma.local @!p0 [hbm:s6], $0xF7A  }
0x23: {  	s9 =	sor.u32 $0xD0000000, s2;
	s6 =	simm.s32 $0x108;
	_ =	swait.ge @!p0 [sflag:s8], $0x0  }
0x24: {  	s3 =	sadd.s32 $0x88, s3;
	s6 =	simm.s32 @!p1 $0x1082;
	[sflag:s4] =	ssyncset.s32 $0xFFFFF086  }
0x25: {  	[simem:s6], [sflag:s4] =	dma.local [hbm:s3], $0xF7A  }
0x26: {  	[smem:$0x3F90] =	sst s1;
	(tag) =	ssettag s2;
	_ =	strace s9  }
0x27: {  	s1 =	sld [smem:$0x3FA0]  }
0x28: {  	s2 =	sld [smem:$0x3FA1]  }
0x29: {  	s4 =	sld [smem:$0x3FA3]  }
0x2a: {  	p0 =	seq.s32 s5, $0x0;
	s5 =	sld [smem:$0x3FA4]  }
0x2b: {  	s6 =	sld [smem:$0x3FA5]  }
0x2c: {  	s7 =	sld [smem:$0x3FA6]  }
0x2d: {  	s3 =	simm.s32 $0x108;
	s8 =	sld [smem:$0x3FA7]  }
0x2e: {  	s3 =	simm.s32 @!p0 $0x1082;
	s9 =	sld [smem:$0x3FA8]  }
0x2f: {  	lr =	sadd.s32 s0, s3;
	s0 =	sld [smem:$0x3F9F]  }
0x30: {  	s3 =	sld [smem:$0x3FA2]  }
0x31: {  	[smem:$0x3FAB] =	sst s10  }
0x32: {  	s10 =	sld [smem:$0x3FA9];
	_ =	sdelay $0x3  }
0x33: {  	p0 =	seq.s32 s10, $0x1;
	s10 =	sld [smem:$0x3FAB];
	_ =	sdelay $0x3  }
0x34: {  	[smem:$0x3FAB] =	sst s10  }
0x35: {  	s10 =	sld [smem:$0x3FAA];
	_ =	sdelay $0x3  }
0x36: {  	p1 =	seq.s32 s10, $0x1;
	s10 =	sld [smem:$0x3FAB];
	_ =	sdelay $0x3  }
0x37: {  	[smem:$0x3FAB] =	sst s10  }
0x38: {  	s10 =	sld [smem:$0x3FAC]  }
0x39: {  	_ = 	snop;
	(pc) =	sbr.ind lr, $3  }
0x3a: {  	_ = 	snop  }
0x3b: {  	_ = 	snop  }
0x3c: {  	p2 =	seq.s32 s10, $0x1;
	s10 =	sld [smem:$0x3FAB]  }
0x3d: {  	_ =	shalt  }
0x3e: {  	_ =	shalt  }
0x3f: {  	_ =	shalt  }
0x40: {  	_ =	shalt  }
0x41: {  	_ =	shalt  }
0x42: {  	_ =	shalt  }
0x43: {  	_ =	shalt  }
0x44: {  	_ =	shalt  }
0x45: {  	_ =	shalt  }
0x46: {  	_ =	shalt  }
0x47: {  	_ =	shalt  }
0x48: {  	_ =	shalt  }
0x49: {  	_ =	shalt  }
0x4a: {  	_ =	shalt  }
0x4b: {  	_ =	shalt  }
0x4c: {  	_ =	shalt  }
0x4d: {  	_ =	shalt  }
0x4e: {  	_ =	shalt  }
0x4f: {  	_ =	shalt  }
0x50: {  	_ =	shalt  }
0x51: {  	_ =	shalt  }
0x52: {  	_ =	shalt  }
0x53: {  	_ =	shalt  }
0x54: {  	_ =	shalt  }
0x55: {  	_ =	shalt  }
0x56: {  	_ =	shalt  }
0x57: {  	_ =	shalt  }
0x58: {  	_ =	shalt  }
0x59: {  	_ =	shalt  }
0x5a: {  	_ =	shalt  }
0x5b: {  	_ =	shalt  }
0x5c: {  	_ =	shalt  }
0x5d: {  	_ =	shalt  }
0x5e: {  	_ =	shalt  }
0x5f: {  	_ =	shalt  }
0x60: {  	_ =	shalt  }
0x61: {  	_ =	shalt  }
0x62: {  	_ =	shalt  }
0x63: {  	_ =	shalt  }
0x64: {  	_ =	shalt  }
0x65: {  	_ =	shalt  }
0x66: {  	_ =	shalt  }
0x67: {  	_ =	shalt  }
0x68: {  	_ =	shalt  }
0x69: {  	_ =	shalt  }
0x6a: {  	_ =	shalt  }
0x6b: {  	_ =	shalt  }
0x6c: {  	_ =	shalt  }
0x6d: {  	_ =	shalt  }
0x6e: {  	_ =	shalt  }
0x6f: {  	_ =	shalt  }
0x70: {  	_ =	shalt  }
0x71: {  	_ =	shalt  }
0x72: {  	_ =	shalt  }
0x73: {  	_ =	shalt  }
0x74: {  	_ =	shalt  }
0x75: {  	_ =	shalt  }
0x76: {  	_ =	shalt  }
0x77: {  	_ =	shalt  }
0x78: {  	_ =	shalt  }
0x79: {  	_ =	shalt  }
0x7a: {  	_ =	shalt  }
0x7b: {  	_ =	shalt  }
0x7c: {  	_ =	shalt  }
0x7d: {  	_ =	shalt  }
0x7e: {  	_ =	shalt  }
0x7f: {  	_ =	shalt  }
0x80: {  	_ =	shalt  }
0x81: {  	_ =	shalt  }
0x82: {  	_ =	shalt  }
0x83: {  	_ =	shalt  }
0x84: {  	_ =	shalt  }
0x85: {  	_ =	shalt  }
0x86: {  	_ =	shalt  }
0x87: {  	_ =	shalt  }
.Lfunc_end0:
.L_simem_size_0:
called_computation_lowered:
.L_overlay_start_0:
0x88: {  	s2 =	sld [smem:$0x3FD9]  }
0x89: {  	s3 =	sld [smem:$0x3FFE];
	_ =	sdelay $0x1  }
0x8a: {  	s1 =	srdreg.scid  }
0x8b: {  	s0 =	sand.u32 $0x1, s1  }
0x8c: {  	s17 =	sshll.u32 s0, $0xA;
	s2 =	sadd.s32 s3, s2  }
0x8d: {  	s2 =	sadd.s32 s2, s17  }
0x8e: {  	[smem:$0x3FB7] =	sst s2  }
0x8f: {  	_ = 	snop  }
0x90: {  	s2 =	sld [smem:$0x3FD0];
	(tm) =	ssettm $0x1  }
0x91: {  	s18 =	sld [smem:$0x3FFB];
	_ =	sdelay $0x3  }
0x92: {  	_ =	strace s18  }
0x93: {  	s3 =	sld [smem:$0x3FFC];
	_ =	sdelay $0x3  }
0x94: {  	_ =	strace s3  }
0x95: {  	s3 =	sld [smem:$0x3FFD];
	_ =	sdelay $0x3  }
0x96: {  	_ =	strace s3  }
0x97: {  	_ =	strace $0x8FFFFFFF  }
0x98: {  	s19 =	sld [smem:$0x3FDB];
	_ =	sdelay $0x1  }
0x99: {  	s4 =	simm.s32 $_scs_section_size  }
0x9a: {  	s5 =	simm.s32 $_size__tile_overlayer_lowered;
	s6 =	simm.s32 $_tile_overlayer_lowered  }
0x9b: {  	s22 =	simm.s32 $0x1BFF;
	s21 =	sshll.u32 s6, $0x1;
	s3 =	sadd.s32 s4, s19  }
0x9c: {  	s7 =	simm.s32 $0x0;
	s20 =	sshll.u32 s5, $0x1;
	s5 =	sadd.s32 s21, s3  }
0x9d: {  	[timem:s7], [sflag:s22] =	dma.local [hbm:s5], s20  }
0x9e: {  	_ =	swait.ge [sflag:s22], s20  }
0x9f: {  	s4 =	ssub.s32 $0x0, s20;
	[sflag:s22] =	ssyncset.done $0x0  }
0xa0: {  	[sflag:s22] =	ssyncadd.s32 s4;
	_ =	sdelay $0x1  }
0xa1: {  	s23 =	simm.s32 $0x1B8B  }
0xa2: {  	_ =	swait.ge [sflag:s23], $0x1  }
0xa3: {  	[sflag:s23] =	ssyncset.done $0x0  }
0xa4: {  	s25 =	simm.s32 $0x1B8E;
	s24 =	sld [smem:$0x3FFE];
	[sflag:s23] =	ssyncadd.s32 $0xFFFFFFFF  }
0xa5: {  	s26 =	simm.s32 $execute0_lowered;
	[smem:$0x3FD2] =	sst s25  }
0xa6: {  	s5 =	sshll.u32 s26, $0x1;
	_ =	strace $0x80000046;
	[dreg:$0x1] =	wrdreg $0xFFFFFFFF  }
0xa7: {  	s28 =	simm.s32 $_size_execute0_lowered;
	s3 =	sadd.s32 s3, s5;
	[dreg:$0x0] =	wrdreg $0x0  }
0xa8: {  	s5 =	sshll.u32 s28, $0x1;
	[dreg:$0x2] =	wrdreg s3  }
0xa9: {  	[dreg:$0x3] =	wrdreg s5  }
0xaa: {  	[dreg:$0x4] =	wrdreg $0xC0  }
0xab: {  	_ =	task [dreg:s7], $0x5FFFF  }
0xac: {  	[dreg:$0x1] =	wrdreg $0xFFFFFFFF  }
0xad: {  	[dreg:$0x0] =	wrdreg $0x60  }
0xae: {  	[dreg:$0x2] =	wrdreg s24  }
0xaf: {  	[dreg:$0x3] =	wrdreg s2  }
0xb0: {  	[dreg:$0x4] =	wrdreg $0x9  }
0xb1: {  	_ =	task.clear_ibuf [dreg:s7], $0x5FFFF;
	_ =	strace $0x90000046  }
0xb2: {  	s29 =	simm.s32 $0x9;
	_ =	strace $0x80000048  }
0xb3: {  	_ =	swait.ge [sflag:s29], $0x1  }
0xb4: {  	[sflag:s29] =	ssyncadd.s32 $0xFFFFFFFF  }
0xb5: {  	_ =	strace $0x90000048  }
0xb6: {  	_ =	sfence  }
0xb7: {  	s30 =	sld [smem:$0x0];
	_ =	sdelay $0x2  }
0xb8: {  	s31 =	sshll.u32 s1, $0xD;
	s1 =	sshrl.u32 s1, $0x2  }
0xb9: {  	s3 =	sand.u32 $0x4000, s31;
	s1 =	sadd.s32 s1, s30  }
0xba: {  	s0 =	sor.u32 s3, s0;
	s1 =	sshll.u32 s1, $0x11  }
0xbb: {  	s0 =	sor.u32 s1, s0  }
0xbc: {  	s0 =	sadd.s32 $0x8F2B, s0  }
0xbd: {  	[sflag:s0] =	ssyncadd.remote.s32 $0x1  }
0xbe: {  	_ =	sfence.sel $0xFFFF  }
0xbf: {  	[dreg:$0x0] =	wrdreg $0xFFFFFFFF;
	(pc) =	sbr.abs _section_cstart, $3  }
0xc0: {  	[dreg:$0x1] =	wrdreg $0xFFFFFFFF  }
0xc1: {  	_ =	task.clear_ibuf [dreg:s7], $0x2FFFF;
	_ =	strace $0x9FFFFFFF  }
0xc2: {  	(tm) =	ssettm $0x7FFFFFFF  }
0xc3: {  	_ =	shalt  }
tec
execute0_lowered:
.L_overlay_start_1:
0x0: {  	(tag) =	ssettag $0x1  }
0x1: {  	s4 =	rddreg [dreg:$0x0]  }
0x2: {  	s5 =	rddreg [dreg:$0x1];
	s2 =	simm.s32 $0x0  }
0x3: {  	s7 =	simm.s32 $0x1180;
	[smem:$0x7FF] =	sst s2  }
0x4: {  	s8 =	simm.s32 $0x1980;
	_ =	strace $0x80000047;
	[dreg:$0x5] =	wrdreg s7  }
0x5: {  	s9 =	simm.s32 $0x2180;
	[dreg:$0x6] =	wrdreg s8  }
0x6: {  	s10 =	simm.s32 $0x2980;
	[dreg:$0x7] =	wrdreg s9  }
0x7: {  	s6 =	stileid.u32;
	s11 =	simm.s32 $0x3180;
	[dreg:$0x8] =	wrdreg s10  }
0x8: {  	s0 =	srdreg.scid;
	s13 =	simm.s32 $0x3980;
	[dreg:$0x9] =	wrdreg s11  }
0x9: {  	s14 =	simm.s32 $0x4180;
	s15 =	simm.s32 $0x4980;
	[dreg:$0xa] =	wrdreg s13  }
0xa: {  	s17 =	simm.s32 $0x5180;
	s19 =	simm.s32 $0x5980;
	[dreg:$0xb] =	wrdreg s14  }
0xb: {  	s20 =	simm.s32 $0x6180;
	s21 =	simm.s32 $0x6980;
	[dreg:$0xc] =	wrdreg s15  }
0xc: {  	s22 =	simm.s32 $0x7180;
	s23 =	simm.s32 $0x7980;
	[dreg:$0xd] =	wrdreg s17  }
0xd: {  	s24 =	simm.s32 $0x8180;
	s25 =	simm.s32 $0x8980;
	[dreg:$0xe] =	wrdreg s19  }
0xe: {  	s26 =	simm.s32 $0x9180;
	s28 =	simm.s32 $0x13180;
	[dreg:$0xf] =	wrdreg s20  }
0xf: {  	s29 =	simm.s32 $0x13980;
	s30 =	simm.s32 $0x1;
	[dreg:$0x10] =	wrdreg s21  }
0x10: {  	s31 =	simm.s32 $0x0;
	s1 =	smul.u32 $0x3200, s6;
	[dreg:$0x11] =	wrdreg s22  }
0x11: {  	s0 =	sand.u32 $0x1, s0;
	s12 =	smul.u32 $0x64000, s6;
	[dreg:$0x12] =	wrdreg s23  }
0x12: {  	s6 =	simm.s32 $0x2;
	s3 =	smul.u32 $0x1900, s0;
	[dreg:$0x13] =	wrdreg s24  }
0x13: {  	s16 =	ssub.s32 $0x2, s0;
	s0 =	smul.u32 $0x32000, s0;
	[dreg:$0x14] =	wrdreg s25  }
0x14: {  	s7 =	simm.s32 $0x180;
	[dreg:$0x15] =	wrdreg s26;
	s8 =	simm.s32 $0x9980  }
0x15: {  	s9 =	simm.s32 $0xA180;
	s10 =	simm.s32 $0xA980;
	s11 =	simm.s32 $0xB180  }
0x16: {  	s13 =	simm.s32 $0xC180;
	s14 =	simm.s32 $0xC980;
	s15 =	simm.s32 $0xD180  }
0x17: {  	s17 =	simm.s32 $0xE180;
	s19 =	simm.s32 $0xF180;
	s20 =	simm.s32 $0xF980  }
0x18: {  	s21 =	simm.s32 $0x10180;
	s22 =	simm.s32 $0x10980;
	s23 =	simm.s32 $0x11180  }
0x19: {  	s24 =	simm.s32 $0x11980;
	s25 =	simm.s32 $0x12180;
	s1 =	sadd.s32 s3, s1  }
0x1a: {  	s26 =	simm.s32 $0x12980;
	s18 =	sshrl.u32 s16, $0x1;
	s1 =	sshrl.u32 s1, $0x3  }
0x1b: {  	s3 =	sadd.s32 $0x50A00, s4;
	s1 =	sadd.s32 s1, s5;
	s5 =	simm.s32 $0x980  }
0x1c: {  	[dreg:$0x4] =	wrdreg s5;
	s5 =	sadd.s32 s12, s4;
	s4 =	ssub.s32 s16, s18  }
0x1d: {  	v2 =	vlaneseq.u32;
	[dreg:$0x3] =	wrdreg s1;
	s4 =	smax.u32 s4, $0x1;
	s0 =	sadd.s32 s0, s5  }
0x1e: {  	vm0 =	vmmov $0xffff;
	v1 =	vshrl.u32 v2, $0x3;
	s12 =	simm.s32 $0xB980;
	[dreg:$0x16] =	wrdreg s4;
	s0 =	sadd.s32 $0x9EC00, s0  }
0x1f: {  	v0 =	vand.u32 $0x7, v2;
	v2 =	vor.u32 $0x8, v2;
	v1 =	vmul.u32 $0x8, v1;
	s16 =	simm.s32 $0xD980;
	s18 =	simm.s32 $0xE980;
	[dreg:$0x17] =	wrdreg s0  }
.LBB2_1:
0x20: {  	s5 =	rddreg [dreg:$0x17];
	s0 =	simm.s32 $0x0  }
.LBB2_2:
0x21: {  	s4 =	rddreg [dreg:$0x3]  }
0x22: {  	s4 =	sadd.s32 s0, s4  }
0x23: {  	[tilespmem:s2], [sflag:$0x2] =	stream.linear.gather [hbm4b:s4+s2], $0x140, $0x38;
	[tilespmem:$0x14180] =	vst v63  }
0x24: {  	_ =	swait.ge [sflag:s6], $0x140  }
0x25: {  	[sflag:s6] =	ssyncset.done $0x0  }
0x26: {  	[sflag:s6] =	ssyncadd.s32 $0xFFFFFEC0  }
0x27: {  	v3 =	vld [tilespmem:$0x0];
	_ =	sdelay $0x4  }
0x28: {  	v4 =	vshll.u32 v3, $0x1  }
0x29: {  	v3 =	vand.u32 $0x7, v3;
	v4 =	vand.u32 $0xFFFFFFF0, v4  }
0x2a: {  	v3 =	vor.u32 v3, v4  }
0x2b: {  	v4 =	vperm.xlane v3, v0;
	_ =	sdelay $0x1  }
0x2c: {  	v3 =	vperm.xlane v3, v2;
	v4 =	vadd.s32 v1, v4;
	_ =	sdelay $0x1  }
0x2d: {  	v3 =	vadd.s32 v1, v3;
	_ =	sdelay $0x2  }
0x2e: {  	[tilespmem:s7], [sflag:$0x1] =	stream.indirect_vreg.gather [hbm4b:s3+s2], $0x80, v4, vm0, $0xb8;
	[tilespmem:$0x14180] =	vst v63  }
0x2f: {  	s1 =	rddreg [dreg:$0x4]  }
0x30: {  	[tilespmem:s1], [sflag:$0x1] =	stream.indirect_vreg.gather [hbm4b:s3+s2], $0x80, v3, vm0, $0xb8;
	[tilespmem:$0x14180] =	vst v63  }
0x31: {  	v3 =	vld [tilespmem:$0x10];
	_ =	sdelay $0x4  }
0x32: {  	v45 =	vshll.u32 v3, $0x1  }
0x33: {  	v3 =	vand.u32 $0x7, v3;
	v4 =	vand.u32 $0xFFFFFFF0, v45  }
0x34: {  	v3 =	vor.u32 v3, v4  }
0x35: {  	v4 =	vperm.xlane v3, v0;
	_ =	sdelay $0x1  }
0x36: {  	v3 =	vperm.xlane v3, v2;
	v4 =	vadd.s32 v1, v4;
	_ =	sdelay $0x1  }
0x37: {  	v3 =	vadd.s32 v1, v3;
	_ =	sdelay $0x1  }
0x38: {  	s4 =	rddreg [dreg:$0x5]  }
0x39: {  	[tilespmem:s4], [sflag:$0x1] =	stream.indirect_vreg.gather [hbm4b:s3+s2], $0x80, v4, vm0, $0xb8;
	[tilespmem:$0x14180] =	vst v63  }
0x3a: {  	s1 =	rddreg [dreg:$0x6]  }
0x3b: {  	[tilespmem:s1], [sflag:$0x1] =	stream.indirect_vreg.gather [hbm4b:s3+s2], $0x80, v3, vm0, $0xb8;
	[tilespmem:$0x14180] =	vst v63  }
0x3c: {  	v3 =	vld [tilespmem:$0x20];
	_ =	sdelay $0x4  }
0x3d: {  	v46 =	vshll.u32 v3, $0x1  }
0x3e: {  	v3 =	vand.u32 $0x7, v3;
	v4 =	vand.u32 $0xFFFFFFF0, v46  }
0x3f: {  	v3 =	vor.u32 v3, v4  }
0x40: {  	v4 =	vperm.xlane v3, v0;
	_ =	sdelay $0x1  }
0x41: {  	v3 =	vperm.xlane v3, v2;
	v4 =	vadd.s32 v1, v4;
	_ =	sdelay $0x1  }
0x42: {  	v3 =	vadd.s32 v1, v3;
	_ =	sdelay $0x1  }
0x43: {  	s1 =	rddreg [dreg:$0x7]  }
0x44: {  	[tilespmem:s1], [sflag:$0x1] =	stream.indirect_vreg.gather [hbm4b:s3+s2], $0x80, v4, vm0, $0xb8;
	[tilespmem:$0x14180] =	vst v63  }
0x45: {  	s4 =	rddreg [dreg:$0x8]  }
0x46: {  	[tilespmem:s4], [sflag:$0x1] =	stream.indirect_vreg.gather [hbm4b:s3+s2], $0x80, v3, vm0, $0xb8;
	[tilespmem:$0x14180] =	vst v63  }
0x47: {  	v3 =	vld [tilespmem:$0x30];
	_ =	sdelay $0x4  }
0x48: {  	v47 =	vshll.u32 v3, $0x1  }
0x49: {  	v3 =	vand.u32 $0x7, v3;
	v4 =	vand.u32 $0xFFFFFFF0, v47  }
0x4a: {  	v3 =	vor.u32 v3, v4  }
0x4b: {  	v4 =	vperm.xlane v3, v0;
	_ =	sdelay $0x1  }
0x4c: {  	v3 =	vperm.xlane v3, v2;
	v4 =	vadd.s32 v1, v4;
	_ =	sdelay $0x1  }
0x4d: {  	v3 =	vadd.s32 v1, v3;
	_ =	sdelay $0x1  }
0x4e: {  	s1 =	rddreg [dreg:$0x9]  }
0x4f: {  	[tilespmem:s1], [sflag:$0x1] =	stream.indirect_vreg.gather [hbm4b:s3+s2], $0x80, v4, vm0, $0xb8;
	[tilespmem:$0x14180] =	vst v63  }
0x50: {  	s4 =	rddreg [dreg:$0xa]  }
0x51: {  	[tilespmem:s4], [sflag:$0x1] =	stream.indirect_vreg.gather [hbm4b:s3+s2], $0x80, v3, vm0, $0xb8;
	[tilespmem:$0x14180] =	vst v63  }
0x52: {  	v3 =	vld [tilespmem:$0x40];
	_ =	sdelay $0x4  }
0x53: {  	v48 =	vshll.u32 v3, $0x1  }
0x54: {  	v3 =	vand.u32 $0x7, v3;
	v4 =	vand.u32 $0xFFFFFFF0, v48  }
0x55: {  	v3 =	vor.u32 v3, v4  }
0x56: {  	v4 =	vperm.xlane v3, v0;
	_ =	sdelay $0x1  }
0x57: {  	v3 =	vperm.xlane v3, v2;
	v4 =	vadd.s32 v1, v4;
	_ =	sdelay $0x1  }
0x58: {  	v3 =	vadd.s32 v1, v3;
	_ =	sdelay $0x1  }
0x59: {  	s1 =	rddreg [dreg:$0xb]  }
0x5a: {  	[tilespmem:s1], [sflag:$0x1] =	stream.indirect_vreg.gather [hbm4b:s3+s2], $0x80, v4, vm0, $0xb8;
	[tilespmem:$0x14180] =	vst v63  }
0x5b: {  	s4 =	rddreg [dreg:$0xc]  }
0x5c: {  	[tilespmem:s4], [sflag:$0x1] =	stream.indirect_vreg.gather [hbm4b:s3+s2], $0x80, v3, vm0, $0xb8;
	[tilespmem:$0x14180] =	vst v63  }
0x5d: {  	v3 =	vld [tilespmem:$0x50];
	_ =	sdelay $0x4  }
0x5e: {  	v49 =	vshll.u32 v3, $0x1  }
0x5f: {  	v3 =	vand.u32 $0x7, v3;
	v4 =	vand.u32 $0xFFFFFFF0, v49  }
0x60: {  	v3 =	vor.u32 v3, v4  }
0x61: {  	v4 =	vperm.xlane v3, v0;
	_ =	sdelay $0x1  }
0x62: {  	v3 =	vperm.xlane v3, v2;
	v4 =	vadd.s32 v1, v4;
	_ =	sdelay $0x1  }
0x63: {  	v3 =	vadd.s32 v1, v3;
	_ =	sdelay $0x1  }
0x64: {  	s1 =	rddreg [dreg:$0xd]  }
0x65: {  	[tilespmem:s1], [sflag:$0x1] =	stream.indirect_vreg.gather [hbm4b:s3+s2], $0x80, v4, vm0, $0xb8;
	[tilespmem:$0x14180] =	vst v63  }
0x66: {  	s4 =	rddreg [dreg:$0xe]  }
0x67: {  	[tilespmem:s4], [sflag:$0x1] =	stream.indirect_vreg.gather [hbm4b:s3+s2], $0x80, v3, vm0, $0xb8;
	[tilespmem:$0x14180] =	vst v63  }
0x68: {  	v3 =	vld [tilespmem:$0x60];
	_ =	sdelay $0x4  }
0x69: {  	v50 =	vshll.u32 v3, $0x1  }
0x6a: {  	v3 =	vand.u32 $0x7, v3;
	v4 =	vand.u32 $0xFFFFFFF0, v50  }
0x6b: {  	v3 =	vor.u32 v3, v4  }
0x6c: {  	v4 =	vperm.xlane v3, v0;
	_ =	sdelay $0x1  }
0x6d: {  	v3 =	vperm.xlane v3, v2;
	v4 =	vadd.s32 v1, v4;
	_ =	sdelay $0x1  }
0x6e: {  	v3 =	vadd.s32 v1, v3;
	_ =	sdelay $0x1  }
0x6f: {  	s1 =	rddreg [dreg:$0xf]  }
0x70: {  	[tilespmem:s1], [sflag:$0x1] =	stream.indirect_vreg.gather [hbm4b:s3+s2], $0x80, v4, vm0, $0xb8;
	[tilespmem:$0x14180] =	vst v63  }
0x71: {  	s4 =	rddreg [dreg:$0x10]  }
0x72: {  	[tilespmem:s4], [sflag:$0x1] =	stream.indirect_vreg.gather [hbm4b:s3+s2], $0x80, v3, vm0, $0xb8;
	[tilespmem:$0x14180] =	vst v63  }
0x73: {  	v3 =	vld [tilespmem:$0x70];
	_ =	sdelay $0x4  }
0x74: {  	v51 =	vshll.u32 v3, $0x1  }
0x75: {  	v3 =	vand.u32 $0x7, v3;
	v4 =	vand.u32 $0xFFFFFFF0, v51  }
0x76: {  	v3 =	vor.u32 v3, v4  }
0x77: {  	v4 =	vperm.xlane v3, v0;
	_ =	sdelay $0x1  }
0x78: {  	v3 =	vperm.xlane v3, v2;
	v4 =	vadd.s32 v1, v4;
	_ =	sdelay $0x1  }
0x79: {  	v3 =	vadd.s32 v1, v3;
	_ =	sdelay $0x1  }
0x7a: {  	s1 =	rddreg [dreg:$0x11]  }
0x7b: {  	[tilespmem:s1], [sflag:$0x1] =	stream.indirect_vreg.gather [hbm4b:s3+s2], $0x80, v4, vm0, $0xb8;
	[tilespmem:$0x14180] =	vst v63  }
0x7c: {  	s4 =	rddreg [dreg:$0x12]  }
0x7d: {  	[tilespmem:s4], [sflag:$0x1] =	stream.indirect_vreg.gather [hbm4b:s3+s2], $0x80, v3, vm0, $0xb8;
	[tilespmem:$0x14180] =	vst v63  }
0x7e: {  	v3 =	vld [tilespmem:$0x80];
	_ =	sdelay $0x4  }
0x7f: {  	v52 =	vshll.u32 v3, $0x1  }
0x80: {  	v3 =	vand.u32 $0x7, v3;
	v4 =	vand.u32 $0xFFFFFFF0, v52  }
0x81: {  	v3 =	vor.u32 v3, v4  }
0x82: {  	v4 =	vperm.xlane v3, v0;
	_ =	sdelay $0x1  }
0x83: {  	v3 =	vperm.xlane v3, v2;
	v4 =	vadd.s32 v1, v4;
	_ =	sdelay $0x1  }
0x84: {  	v3 =	vadd.s32 v1, v3;
	_ =	sdelay $0x1  }
0x85: {  	s1 =	rddreg [dreg:$0x13]  }
0x86: {  	[tilespmem:s1], [sflag:$0x1] =	stream.indirect_vreg.gather [hbm4b:s3+s2], $0x80, v4, vm0, $0xb8;
	[tilespmem:$0x14180] =	vst v63  }
0x87: {  	s4 =	rddreg [dreg:$0x14]  }
0x88: {  	[tilespmem:s4], [sflag:$0x1] =	stream.indirect_vreg.gather [hbm4b:s3+s2], $0x80, v3, vm0, $0xb8;
	[tilespmem:$0x14180] =	vst v63  }
0x89: {  	v3 =	vld [tilespmem:$0x90];
	_ =	sdelay $0x4  }
0x8a: {  	v53 =	vshll.u32 v3, $0x1  }
0x8b: {  	v3 =	vand.u32 $0x7, v3;
	v4 =	vand.u32 $0xFFFFFFF0, v53  }
0x8c: {  	v3 =	vor.u32 v3, v4  }
0x8d: {  	v4 =	vperm.xlane v3, v0;
	_ =	sdelay $0x1  }
0x8e: {  	v3 =	vperm.xlane v3, v2;
	v4 =	vadd.s32 v1, v4;
	_ =	sdelay $0x1  }
0x8f: {  	v3 =	vadd.s32 v1, v3;
	_ =	sdelay $0x1  }
0x90: {  	s4 =	rddreg [dreg:$0x15]  }
0x91: {  	[tilespmem:s4], [sflag:$0x1] =	stream.indirect_vreg.gather [hbm4b:s3+s2], $0x80, v4, vm0, $0xb8;
	[tilespmem:$0x14180] =	vst v63  }
0x92: {  	_ = 	snop  }
0x93: {  	[tilespmem:s8], [sflag:$0x1] =	stream.indirect_vreg.gather [hbm4b:s3+s2], $0x80, v3, vm0, $0xb8;
	[tilespmem:$0x14180] =	vst v63  }
0x94: {  	v3 =	vld [tilespmem:$0xA0];
	_ =	sdelay $0x4  }
0x95: {  	v54 =	vshll.u32 v3, $0x1  }
0x96: {  	v3 =	vand.u32 $0x7, v3;
	v4 =	vand.u32 $0xFFFFFFF0, v54  }
0x97: {  	v3 =	vor.u32 v3, v4  }
0x98: {  	v4 =	vperm.xlane v3, v0;
	_ =	sdelay $0x1  }
0x99: {  	v3 =	vperm.xlane v3, v2;
	v4 =	vadd.s32 v1, v4;
	_ =	sdelay $0x1  }
0x9a: {  	v3 =	vadd.s32 v1, v3;
	_ =	sdelay $0x2  }
0x9b: {  	[tilespmem:s9], [sflag:$0x1] =	stream.indirect_vreg.gather [hbm4b:s3+s2], $0x80, v4, vm0, $0xb8;
	[tilespmem:$0x14180] =	vst v63  }
0x9c: {  	_ = 	snop  }
0x9d: {  	[tilespmem:s10], [sflag:$0x1] =	stream.indirect_vreg.gather [hbm4b:s3+s2], $0x80, v3, vm0, $0xb8;
	[tilespmem:$0x14180] =	vst v63  }
0x9e: {  	v3 =	vld [tilespmem:$0xB0];
	_ =	sdelay $0x4  }
0x9f: {  	v55 =	vshll.u32 v3, $0x1  }
0xa0: {  	v3 =	vand.u32 $0x7, v3;
	v4 =	vand.u32 $0xFFFFFFF0, v55  }
0xa1: {  	v3 =	vor.u32 v3, v4  }
0xa2: {  	v4 =	vperm.xlane v3, v0;
	_ =	sdelay $0x1  }
0xa3: {  	v3 =	vperm.xlane v3, v2;
	v4 =	vadd.s32 v1, v4;
	_ =	sdelay $0x1  }
0xa4: {  	v3 =	vadd.s32 v1, v3;
	_ =	sdelay $0x2  }
0xa5: {  	[tilespmem:s11], [sflag:$0x1] =	stream.indirect_vreg.gather [hbm4b:s3+s2], $0x80, v4, vm0, $0xb8;
	[tilespmem:$0x14180] =	vst v63  }
0xa6: {  	_ = 	snop  }
0xa7: {  	[tilespmem:s12], [sflag:$0x1] =	stream.indirect_vreg.gather [hbm4b:s3+s2], $0x80, v3, vm0, $0xb8;
	[tilespmem:$0x14180] =	vst v63  }
0xa8: {  	v3 =	vld [tilespmem:$0xC0];
	_ =	sdelay $0x4  }
0xa9: {  	v56 =	vshll.u32 v3, $0x1  }
0xaa: {  	v3 =	vand.u32 $0x7, v3;
	v4 =	vand.u32 $0xFFFFFFF0, v56  }
0xab: {  	v3 =	vor.u32 v3, v4  }
0xac: {  	v4 =	vperm.xlane v3, v0;
	_ =	sdelay $0x1  }
0xad: {  	v3 =	vperm.xlane v3, v2;
	v4 =	vadd.s32 v1, v4;
	_ =	sdelay $0x1  }
0xae: {  	v3 =	vadd.s32 v1, v3;
	_ =	sdelay $0x2  }
0xaf: {  	[tilespmem:s13], [sflag:$0x1] =	stream.indirect_vreg.gather [hbm4b:s3+s2], $0x80, v4, vm0, $0xb8;
	[tilespmem:$0x14180] =	vst v63  }
0xb0: {  	_ = 	snop  }
0xb1: {  	[tilespmem:s14], [sflag:$0x1] =	stream.indirect_vreg.gather [hbm4b:s3+s2], $0x80, v3, vm0, $0xb8;
	[tilespmem:$0x14180] =	vst v63  }
0xb2: {  	v3 =	vld [tilespmem:$0xD0];
	_ =	sdelay $0x4  }
0xb3: {  	v57 =	vshll.u32 v3, $0x1  }
0xb4: {  	v3 =	vand.u32 $0x7, v3;
	v4 =	vand.u32 $0xFFFFFFF0, v57  }
0xb5: {  	v3 =	vor.u32 v3, v4  }
0xb6: {  	v4 =	vperm.xlane v3, v0;
	_ =	sdelay $0x1  }
0xb7: {  	v3 =	vperm.xlane v3, v2;
	v4 =	vadd.s32 v1, v4;
	_ =	sdelay $0x1  }
0xb8: {  	v3 =	vadd.s32 v1, v3;
	_ =	sdelay $0x2  }
0xb9: {  	[tilespmem:s15], [sflag:$0x1] =	stream.indirect_vreg.gather [hbm4b:s3+s2], $0x80, v4, vm0, $0xb8;
	[tilespmem:$0x14180] =	vst v63  }
0xba: {  	_ = 	snop  }
0xbb: {  	[tilespmem:s16], [sflag:$0x1] =	stream.indirect_vreg.gather [hbm4b:s3+s2], $0x80, v3, vm0, $0xb8;
	[tilespmem:$0x14180] =	vst v63  }
0xbc: {  	v3 =	vld [tilespmem:$0xE0];
	_ =	sdelay $0x4  }
0xbd: {  	v58 =	vshll.u32 v3, $0x1  }
0xbe: {  	v3 =	vand.u32 $0x7, v3;
	v4 =	vand.u32 $0xFFFFFFF0, v58  }
0xbf: {  	v3 =	vor.u32 v3, v4  }
0xc0: {  	v4 =	vperm.xlane v3, v0;
	_ =	sdelay $0x1  }
0xc1: {  	v3 =	vperm.xlane v3, v2;
	v4 =	vadd.s32 v1, v4;
	_ =	sdelay $0x1  }
0xc2: {  	v3 =	vadd.s32 v1, v3;
	_ =	sdelay $0x2  }
0xc3: {  	[tilespmem:s17], [sflag:$0x1] =	stream.indirect_vreg.gather [hbm4b:s3+s2], $0x80, v4, vm0, $0xb8;
	[tilespmem:$0x14180] =	vst v63  }
0xc4: {  	_ = 	snop  }
0xc5: {  	[tilespmem:s18], [sflag:$0x1] =	stream.indirect_vreg.gather [hbm4b:s3+s2], $0x80, v3, vm0, $0xb8;
	[tilespmem:$0x14180] =	vst v63  }
0xc6: {  	v3 =	vld [tilespmem:$0xF0];
	_ =	sdelay $0x4  }
0xc7: {  	v59 =	vshll.u32 v3, $0x1  }
0xc8: {  	v3 =	vand.u32 $0x7, v3;
	v4 =	vand.u32 $0xFFFFFFF0, v59  }
0xc9: {  	v3 =	vor.u32 v3, v4  }
0xca: {  	v4 =	vperm.xlane v3, v0;
	_ =	sdelay $0x1  }
0xcb: {  	v3 =	vperm.xlane v3, v2;
	v4 =	vadd.s32 v1, v4;
	_ =	sdelay $0x1  }
0xcc: {  	v3 =	vadd.s32 v1, v3;
	_ =	sdelay $0x2  }
0xcd: {  	[tilespmem:s19], [sflag:$0x1] =	stream.indirect_vreg.gather [hbm4b:s3+s2], $0x80, v4, vm0, $0xb8;
	[tilespmem:$0x14180] =	vst v63  }
0xce: {  	_ = 	snop  }
0xcf: {  	[tilespmem:s20], [sflag:$0x1] =	stream.indirect_vreg.gather [hbm4b:s3+s2], $0x80, v3, vm0, $0xb8;
	[tilespmem:$0x14180] =	vst v63  }
0xd0: {  	v3 =	vld [tilespmem:$0x100];
	_ =	sdelay $0x4  }
0xd1: {  	v60 =	vshll.u32 v3, $0x1  }
0xd2: {  	v3 =	vand.u32 $0x7, v3;
	v4 =	vand.u32 $0xFFFFFFF0, v60  }
0xd3: {  	v3 =	vor.u32 v3, v4  }
0xd4: {  	v4 =	vperm.xlane v3, v0;
	_ =	sdelay $0x1  }
0xd5: {  	v3 =	vperm.xlane v3, v2;
	v4 =	vadd.s32 v1, v4;
	_ =	sdelay $0x1  }
0xd6: {  	v3 =	vadd.s32 v1, v3;
	_ =	sdelay $0x2  }
0xd7: {  	[tilespmem:s21], [sflag:$0x1] =	stream.indirect_vreg.gather [hbm4b:s3+s2], $0x80, v4, vm0, $0xb8;
	[tilespmem:$0x14180] =	vst v63  }
0xd8: {  	_ = 	snop  }
0xd9: {  	[tilespmem:s22], [sflag:$0x1] =	stream.indirect_vreg.gather [hbm4b:s3+s2], $0x80, v3, vm0, $0xb8;
	[tilespmem:$0x14180] =	vst v63  }
0xda: {  	v3 =	vld [tilespmem:$0x110];
	_ =	sdelay $0x4  }
0xdb: {  	v61 =	vshll.u32 v3, $0x1  }
0xdc: {  	v3 =	vand.u32 $0x7, v3;
	v4 =	vand.u32 $0xFFFFFFF0, v61  }
0xdd: {  	v3 =	vor.u32 v3, v4  }
0xde: {  	v4 =	vperm.xlane v3, v0;
	_ =	sdelay $0x1  }
0xdf: {  	v3 =	vperm.xlane v3, v2;
	v4 =	vadd.s32 v1, v4;
	_ =	sdelay $0x1  }
0xe0: {  	v3 =	vadd.s32 v1, v3;
	_ =	sdelay $0x2  }
0xe1: {  	[tilespmem:s23], [sflag:$0x1] =	stream.indirect_vreg.gather [hbm4b:s3+s2], $0x80, v4, vm0, $0xb8;
	[tilespmem:$0x14180] =	vst v63  }
0xe2: {  	_ = 	snop  }
0xe3: {  	[tilespmem:s24], [sflag:$0x1] =	stream.indirect_vreg.gather [hbm4b:s3+s2], $0x80, v3, vm0, $0xb8;
	[tilespmem:$0x14180] =	vst v63  }
0xe4: {  	v3 =	vld [tilespmem:$0x120];
	_ =	sdelay $0x4  }
0xe5: {  	v62 =	vshll.u32 v3, $0x1  }
0xe6: {  	v3 =	vand.u32 $0x7, v3;
	v4 =	vand.u32 $0xFFFFFFF0, v62  }
0xe7: {  	v3 =	vor.u32 v3, v4  }
0xe8: {  	v4 =	vperm.xlane v3, v0;
	_ =	sdelay $0x1  }
0xe9: {  	v3 =	vperm.xlane v3, v2;
	v4 =	vadd.s32 v1, v4;
	_ =	sdelay $0x1  }
0xea: {  	v3 =	vadd.s32 v1, v3;
	_ =	sdelay $0x2  }
0xeb: {  	[tilespmem:s25], [sflag:$0x1] =	stream.indirect_vreg.gather [hbm4b:s3+s2], $0x80, v4, vm0, $0xb8;
	[tilespmem:$0x14180] =	vst v63  }
0xec: {  	_ = 	snop  }
0xed: {  	[tilespmem:s26], [sflag:$0x1] =	stream.indirect_vreg.gather [hbm4b:s3+s2], $0x80, v3, vm0, $0xb8;
	[tilespmem:$0x14180] =	vst v63  }
0xee: {  	v3 =	vld [tilespmem:$0x130];
	_ =	sdelay $0x4  }
0xef: {  	v63 =	vshll.u32 v3, $0x1  }
0xf0: {  	v3 =	vand.u32 $0x7, v3;
	v4 =	vand.u32 $0xFFFFFFF0, v63  }
0xf1: {  	v3 =	vor.u32 v3, v4  }
0xf2: {  	v4 =	vperm.xlane v3, v0;
	_ =	sdelay $0x1  }
0xf3: {  	v3 =	vperm.xlane v3, v2;
	v4 =	vadd.s32 v1, v4;
	_ =	sdelay $0x1  }
0xf4: {  	v3 =	vadd.s32 v1, v3;
	_ =	sdelay $0x2  }
0xf5: {  	[tilespmem:s28], [sflag:$0x1] =	stream.indirect_vreg.gather [hbm4b:s3+s2], $0x80, v4, vm0, $0xb8;
	[tilespmem:$0x14180] =	vst v63  }
0xf6: {  	_ = 	snop  }
0xf7: {  	[tilespmem:s29], [sflag:$0x1] =	stream.indirect_vreg.gather [hbm4b:s3+s2], $0x80, v3, vm0, $0xb8;
	[tilespmem:$0x14180] =	vst v63  }
0xf8: {  	_ =	swait.ge [sflag:s30], $0x14000  }
0xf9: {  	p0 =	sne.s32 s0, $0x2F8;
	[sflag:s30] =	ssyncset.done $0x0  }
.Ltmp0:
0xfa: {  	[sflag:s30] =	ssyncadd.s32 $0xFFFEC000;
	(pc) =	sbr.rel @p0 .LBB2_2-.Ltmp0, $4  }
0xfb: {  	[hbm4b:s5+s2] =	stream.linear.scatter [tilespmem:s7], [sflag:$0x2], $0x14000, $0x38;
	[tilespmem:$0x14180] =	vst v63  }
0xfc: {  	_ =	swait.ge [sflag:s6], $0x14000  }
0xfd: {  	[sflag:s6] =	ssyncset.done $0x0  }
0xfe: {  	s0 =	sadd.s32 $0x28, s0;
	s5 =	sadd.s32 $0x2800, s5;
	[sflag:s6] =	ssyncadd.s32 $0xFFFEC000  }
0xff: {  	s31 =	sadd.s32 $0x1, s31;
	s0 =	rddreg [dreg:$0x16]  }
0x100: {  	p0 =	sne.s32 s31, s0  }
.Ltmp1:
0x101: {  	_ = 	snop;
	(pc) =	sbr.rel @p0 .LBB2_1-.Ltmp1, $1  }
0x102: {  	_ =	sdelay $0x3  }
0x103: {  	_ =	sfence.sel $0x180000  }
0x104: {  	[bflag:$0x0] =	sbarrier.arrive $0xFFFF  }
0x105: {  	_ =	strace $0x90000047  }
0x106: {  	s0 =	stileid.u32;
	[bflag:$0x2] =	sbarrier.arrive $0xFFFF  }
0x107: {  	p0 =	sne.s32 s0, $0x0;
	s0 =	rddreg [dreg:$0x2]  }
0x108: {  	s0 =	sadd.s32 @!p0 $0x100000, s0  }
0x109: {  	[sflag:s0] =	ssyncadd.tile.s32 @!p0 $0x1;
	_ =	shalt  }
.Lfunc_end2:
_tile_overlayer_lowered:
.L_overlay_start_2:
0x10a: {  	(tag) =	ssettag $0x2  }
0x10b: {  	s0 =	rddreg [dreg:$0x0];
	s2 =	stileid.u32  }
0x10c: {  	s1 =	rddreg [dreg:$0x1];
	p0 =	sne.s32 s2, $0x0  }
0x10d: {  	s3 =	rddreg [dreg:$0x2];
	[bflag:$0x3] =	sbarrier.arrive $0xFFFF;
	s2 =	simm.s32 @!p0 $0x1C02  }
0x10e: {  	[timem:s3], [sflag:s2] =	dma.local @!p0 [hbm:s0], s1  }
0x10f: {  	s0 =	simm.s32 @!p0 $0x2  }
0x110: {  	_ =	swait.ge @!p0 [sflag:s0], s1  }
0x111: {  	s1 =	ssub.s32 @!p0 $0x0, s1;
	[sflag:s0] =	ssyncset.done @!p0 $0x0  }
0x112: {  	[sflag:s0] =	ssyncadd.s32 @!p0 s1  }
0x113: {  	[bflag:$0x3] =	sbarrier.arrive $0xFFFF  }
0x114: {  	_ =	shalt  }

</sc_bundles>
